<compile_context>
chip_gen: v7x
topology: tpu7x:2x2x1
jax: 0.10.2.dev20260603
libtpu: 0.0.44.dev20260713+nightly
codegen_flags: <defaults>
</compile_context>

<pallas_src>
import functools

import jax
import jax.numpy as jnp
from jax import lax
from jax.experimental import pallas as pl
from jax.experimental.pallas import tpu as pltpu
from jax.experimental.pallas import tpu_sc as plsc

_NC = 2
_NS = 16
_L = 16
_K = 4


@functools.cache
def _build(B: int, D: int):
    NW = _NC * _NS
    assert B % (NW * _L) == 0 and D == 2 * _L
    b_per_w = B // NW
    nb = b_per_w // _K
    mesh = plsc.VectorSubcoreMesh(core_axis_name="c", subcore_axis_name="s")

    @functools.partial(
        pl.kernel,
        out_type=jax.ShapeDtypeStruct((B,), jnp.float32),
        mesh=mesh,
        compiler_params=pltpu.CompilerParams(use_tc_tiling_on_sc=True,
                                             needs_layout_passes=False),
        scratch_types=[
            pltpu.VMEM((b_per_w,), jnp.int32),
            pltpu.VMEM((b_per_w,), jnp.int32),
            pltpu.VMEM((2 * _K, D, 128), jnp.float32),
            pltpu.VMEM((2 * _K, D, 128), jnp.float32),
            pltpu.VMEM((b_per_w,), jnp.float32),
            pltpu.SemaphoreType.DMA,
            pltpu.SemaphoreType.DMA,
        ],
    )
    def k(uidx_hbm, iidx_hbm, utt_hbm, itt_hbm, out_hbm,
          uidx_v, iidx_v, ublk, iblk, out_v, sem0, sem1):
        sems = (sem0, sem1)
        wid = lax.axis_index("s") * _NC + lax.axis_index("c")
        base = wid * b_per_w
        pltpu.sync_copy(uidx_hbm.at[pl.ds(base, b_per_w)], uidx_v)
        pltpu.sync_copy(iidx_hbm.at[pl.ds(base, b_per_w)], iidx_v)

        lanes = lax.iota(jnp.int32, _L)
        hi = lanes + jnp.full((_L,), _L, jnp.int32)
        zero_i = jnp.zeros((_L,), jnp.int32)

        def batch_vecs(b):
            vu = uidx_v[pl.ds(lax.div(b, 4) * _L, _L)]
            vi = iidx_v[pl.ds(lax.div(b, 4) * _L, _L)]
            loff = lax.rem(b, 4) * _K
            return vu, vi, loff

        def extract(vec, lane_id):
            return jnp.sum(jnp.where(lanes == lane_id, vec, zero_i))

        def issue(b, parity):
            vu, vi, loff = batch_vecs(b)
            rbu = lax.shift_right_logical(vu, 7)
            rbi = lax.shift_right_logical(vi, 7)
            for l in range(_K):
                slot = parity * _K + l
                lane_id = jnp.full((_L,), loff + l, jnp.int32)
                cu = pl.multiple_of(extract(rbu, lane_id) * 128, 128)
                ci = pl.multiple_of(extract(rbi, lane_id) * 128, 128)
                pltpu.async_copy(utt_hbm.at[:, pl.ds(cu, 128)],
                                 ublk.at[slot], sems[parity])
                pltpu.async_copy(itt_hbm.at[:, pl.ds(ci, 128)],
                                 iblk.at[slot], sems[parity])

        def body(b, res):
            for parity in range(2):
                @pl.when((b < nb) & (lax.rem(b, 2) == parity))
                def _(parity=parity):
                    issue(b, parity)

            @pl.when(b >= 1)
            def _():
                for parity in range(2):
                    @pl.when(lax.rem(b - 1, 2) == parity)
                    def _(parity=parity):
                        for _ in range(2 * _K):
                            pltpu.make_async_copy(
                                utt_hbm.at[:, pl.ds(0, 128)], ublk.at[0],
                                sems[parity]).wait()

            def compute(res):
                vu, vi, loff = batch_vecs(b - 1)
                for l in range(_K):
                    lane_id = jnp.full((_L,), loff + l, jnp.int32)
                    ru = extract(vu, lane_id)
                    ri = extract(vi, lane_id)
                    mu = jnp.full((_L,), ru & 127, jnp.int32)
                    mi = jnp.full((_L,), ri & 127, jnp.int32)
                    pbase = lax.rem(b - 1, 2) * _K + l
                    kf = jnp.full((_L,), pbase, jnp.int32)
                    u_lo = plsc.load_gather(ublk, [kf, lanes, mu])
                    u_hi = plsc.load_gather(ublk, [kf, hi, mu])
                    v_lo = plsc.load_gather(iblk, [kf, lanes, mi])
                    v_hi = plsc.load_gather(iblk, [kf, hi, mi])
                    dot = jnp.sum(u_lo * v_lo + u_hi * v_hi)
                    res = jnp.where(lanes == lane_id, dot, res)
                return res

            def flush(res):
                out_v[pl.ds(lax.div(b - 1, 4) * _L, _L)] = res
                return res

            res = lax.cond(b >= 1, compute, lambda r: r, res)
            res = lax.cond((b >= 1) & (lax.rem(b, 4) == 0), flush,
                           lambda r: r, res)
            return res

        lax.fori_loop(0, nb + 1, body, jnp.zeros((_L,), jnp.float32))
        pltpu.sync_copy(out_v, out_hbm.at[pl.ds(base, b_per_w)])

    return k


def kernel(user_item_tuple, user_table, item_table):
    uid = user_item_tuple[:, 0].astype(jnp.int32)
    iid = user_item_tuple[:, 1].astype(jnp.int32)
    n, d = user_table.shape
    return _build(uid.shape[0], d)(uid, iid, user_table.T, item_table.T)

# --- scband reference (transcript-rebuilt; emitter-appended) ---
"""Pipeline reference for scband-matrix-factorization-10557029614358 (READ-ONLY COPY).

The authoritative reference and input builder live on the scoring server;
editing this copy changes nothing except your own understanding.
"""

import jax, jax.numpy as jnp
import numpy as np

N_USERS = 1000000
N_ITEMS = 1000000
N_FACTORS = 32
BATCH = 16384

def setup_inputs(seed: int = 0) -> dict:
    key = jax.random.key(seed)
    k_idx, k_u, k_i = jax.random.split(key, 3)
    user_item_tuple = jax.random.randint(k_idx, (BATCH, 2), 0, N_USERS, dtype=jnp.int64)
    # lecun_normal init: std = 1/sqrt(fan_in) with fan_in = n_factors
    std = 1.0 / np.sqrt(N_FACTORS)
    user_table = jax.random.normal(k_u, (N_USERS, N_FACTORS), dtype=jnp.float32) * std
    item_table = jax.random.normal(k_i, (N_ITEMS, N_FACTORS), dtype=jnp.float32) * std
    return {"user_item_tuple": user_item_tuple, "user_table": user_table, "item_table": item_table}

def reference(user_item_tuple, user_table, item_table):
    user_ids = user_item_tuple[:, 0].astype(jnp.int64)
    item_ids = user_item_tuple[:, 1].astype(jnp.int64)
    u = jnp.take(user_table, user_ids, axis=0)
    v = jnp.take(item_table, item_ids, axis=0)
    return (u * v).sum(axis=1)

if __name__ == "__main__":
    import jax
    _d = setup_inputs()
    print(jax.jit(kernel)(*tuple(_d.values())))

</pallas_src>

<mosaic_0001>
#map = affine_map<(d0, d1) -> (0)>
#map1 = affine_map<(d0, d1) -> (0, 0)>
module attributes {stable_mosaic.version = 14 : i64} {
  func.func @k(%arg0: i32, %arg1: i32, %arg2: memref<16384xi32, #tpu.memory_space<hbm>>, %arg3: memref<16384xi32, #tpu.memory_space<hbm>>, %arg4: memref<32x1000000xf32, #tpu.memory_space<hbm>>, %arg5: memref<32x1000000xf32, #tpu.memory_space<hbm>>, %arg6: memref<16384xf32, #tpu.memory_space<hbm>>, %arg7: memref<512xi32, #tpu.memory_space<vmem>>, %arg8: memref<512xi32, #tpu.memory_space<vmem>>, %arg9: memref<8x32x128xf32, #tpu.memory_space<vmem>>, %arg10: memref<8x32x128xf32, #tpu.memory_space<vmem>>, %arg11: memref<512xf32, #tpu.memory_space<vmem>>, %arg12: memref<!tpu.dma_semaphore, #tpu.memory_space<semaphore_mem>>, %arg13: memref<!tpu.dma_semaphore, #tpu.memory_space<semaphore_mem>>) attributes {dimension_semantics = [#tpu.dimension_semantics<core_parallel>, #tpu.dimension_semantics<subcore_parallel>], iteration_bounds = array<i64: 2, 16>, scalar_prefetch = 0 : i64, scratch_operands = 7 : i64, tpu.core_type = #tpu.core_type<sc_vector_subcore>, window_params = [{transform_indices = #map}, {transform_indices = #map}, {transform_indices = #map1}, {transform_indices = #map1}, {transform_indices = #map}]} {
    %mul3A = arith.constant 2 : i32
    %mul3A_0 = arith.muli %arg1, %mul3A : i32
    %add3A = arith.addi %mul3A_0, %arg0 : i32
    %mul3A_1 = arith.constant 512 : i32
    %mul3A_2 = arith.muli %add3A, %mul3A_1 : i32
    "tpu.region"() ({
      %run_scoped3A = tpu.sem_alloc : memref<!tpu.dma_semaphore, #tpu.memory_space<semaphore_mem>>
      %dma_start3A = tpu.memref_slice %arg2[%mul3A_2] : memref<16384xi32, #tpu.memory_space<hbm>> -> memref<512xi32, #tpu.memory_space<hbm>>
      %dma_start3A_14 = tpu.memref_slice %arg2[%mul3A_2] : memref<16384xi32, #tpu.memory_space<hbm>> -> memref<512xi32, #tpu.memory_space<hbm>>
      tpu.enqueue_dma source(%dma_start3A_14 : memref<512xi32, #tpu.memory_space<hbm>>) target(%arg7 : memref<512xi32, #tpu.memory_space<vmem>>) target_semaphore(%run_scoped3A : memref<!tpu.dma_semaphore, #tpu.memory_space<semaphore_mem>>)
      %dma_wait3A = tpu.memref_slice %arg2[%mul3A_2] : memref<16384xi32, #tpu.memory_space<hbm>> -> memref<512xi32, #tpu.memory_space<hbm>>
      %dma_wait3A_15 = tpu.memref_slice %arg2[%mul3A_2] : memref<16384xi32, #tpu.memory_space<hbm>> -> memref<512xi32, #tpu.memory_space<hbm>>
      tpu.wait_dma2 semaphore(%run_scoped3A : memref<!tpu.dma_semaphore, #tpu.memory_space<semaphore_mem>>) src(%dma_wait3A_15 : memref<512xi32, #tpu.memory_space<hbm>>) dst(%arg7 : memref<512xi32, #tpu.memory_space<vmem>>)
      tpu.yield
    }) : () -> ()
    "tpu.region"() ({
      %run_scoped3A = tpu.sem_alloc : memref<!tpu.dma_semaphore, #tpu.memory_space<semaphore_mem>>
      %dma_start3A = tpu.memref_slice %arg3[%mul3A_2] : memref<16384xi32, #tpu.memory_space<hbm>> -> memref<512xi32, #tpu.memory_space<hbm>>
      %dma_start3A_14 = tpu.memref_slice %arg3[%mul3A_2] : memref<16384xi32, #tpu.memory_space<hbm>> -> memref<512xi32, #tpu.memory_space<hbm>>
      tpu.enqueue_dma source(%dma_start3A_14 : memref<512xi32, #tpu.memory_space<hbm>>) target(%arg8 : memref<512xi32, #tpu.memory_space<vmem>>) target_semaphore(%run_scoped3A : memref<!tpu.dma_semaphore, #tpu.memory_space<semaphore_mem>>)
      %dma_wait3A = tpu.memref_slice %arg3[%mul3A_2] : memref<16384xi32, #tpu.memory_space<hbm>> -> memref<512xi32, #tpu.memory_space<hbm>>
      %dma_wait3A_15 = tpu.memref_slice %arg3[%mul3A_2] : memref<16384xi32, #tpu.memory_space<hbm>> -> memref<512xi32, #tpu.memory_space<hbm>>
      tpu.wait_dma2 semaphore(%run_scoped3A : memref<!tpu.dma_semaphore, #tpu.memory_space<semaphore_mem>>) src(%dma_wait3A_15 : memref<512xi32, #tpu.memory_space<hbm>>) dst(%arg8 : memref<512xi32, #tpu.memory_space<vmem>>)
      tpu.yield
    }) : () -> ()
    %iota3A = tpu.iota {dimensions = array<i32: 0>} : vector<16xi32>
    %broadcast_in_dim3A = arith.constant 16 : i32
    %broadcast_in_dim3A_3 = vector.broadcast %broadcast_in_dim3A : i32 to vector<16xi32>
    %add3A_4 = arith.addi %iota3A, %broadcast_in_dim3A_3 : vector<16xi32>
    %broadcast_in_dim3A_5 = arith.constant 0 : i32
    %broadcast_in_dim3A_6 = vector.broadcast %broadcast_in_dim3A_5 : i32 to vector<16xi32>
    %broadcast_in_dim3A_7 = arith.constant 0.000000e+00 : f32
    %broadcast_in_dim3A_8 = vector.broadcast %broadcast_in_dim3A_7 : f32 to vector<16xf32>
    %scan3A = arith.constant 0 : i32
    %scan3A_9 = arith.constant 129 : i32
    %scan3A_10 = arith.addi %scan3A, %scan3A_9 : i32
    %scan3A_11 = arith.constant 1 : i32
    %scan3A_12 = scf.for %scan3A_14 = %scan3A to %scan3A_10 step %scan3A_11 iter_args(%scan3A_15 = %broadcast_in_dim3A_8) -> (vector<16xf32>)  : i32 {
      %lt3A = arith.constant 128 : i32
      %lt3A_16 = arith.cmpi slt, %scan3A_14, %lt3A : i32
      %rem3A = arith.constant 2 : i32
      %rem3A_17 = arith.remsi %scan3A_14, %rem3A : i32
      %eq3A = arith.constant 0 : i32
      %eq3A_18 = arith.cmpi eq, %rem3A_17, %eq3A : i32
      %and3A = arith.andi %lt3A_16, %eq3A_18 : i1
      %convert_element_type3A = arith.extui %and3A : i1 to i32
      %cond3A = arith.constant 0 : i32
      %cond3A_19 = arith.cmpi ne, %convert_element_type3A, %cond3A : i32
      scf.if %cond3A_19 {
        %div3A = arith.constant 4 : i32
        %div3A_50 = arith.divsi %scan3A_14, %div3A : i32
        %mul3A_51 = arith.constant 16 : i32
        %mul3A_52 = arith.muli %div3A_50, %mul3A_51 : i32
        %get3A = arith.index_cast %mul3A_52 : i32 to index
        %get3A_53 = tpu.vector_load %arg7[%get3A] {strides = array<i32>} : memref<512xi32, #tpu.memory_space<vmem>>, vector<16xi32>,
        %div3A_54 = arith.constant 4 : i32
        %div3A_55 = arith.divsi %scan3A_14, %div3A_54 : i32
        %mul3A_56 = arith.constant 16 : i32
        %mul3A_57 = arith.muli %div3A_55, %mul3A_56 : i32
        %get3A_58 = arith.index_cast %mul3A_57 : i32 to index
        %get3A_59 = tpu.vector_load %arg8[%get3A_58] {strides = array<i32>} : memref<512xi32, #tpu.memory_space<vmem>>, vector<16xi32>,
        %rem3A_60 = arith.constant 4 : i32
        %rem3A_61 = arith.remsi %scan3A_14, %rem3A_60 : i32
        %mul3A_62 = arith.constant 4 : i32
        %mul3A_63 = arith.muli %rem3A_61, %mul3A_62 : i32
        %shift_right_logical3A = arith.constant 7 : i32
        %shift_right_logical3A_64 = vector.broadcast %shift_right_logical3A : i32 to vector<16xi32>
        %shift_right_logical3A_65 = arith.shrui %get3A_53, %shift_right_logical3A_64 : vector<16xi32>
        %shift_right_logical3A_66 = arith.constant 7 : i32
        %shift_right_logical3A_67 = vector.broadcast %shift_right_logical3A_66 : i32 to vector<16xi32>
        %shift_right_logical3A_68 = arith.shrui %get3A_59, %shift_right_logical3A_67 : vector<16xi32>
        %add3A_69 = arith.constant 0 : i32
        %add3A_70 = arith.addi %mul3A_63, %add3A_69 : i32
        %broadcast_in_dim3A_71 = vector.broadcast %add3A_70 : i32 to vector<16xi32>
        %eq3A_72 = arith.cmpi eq, %iota3A, %broadcast_in_dim3A_71 : vector<16xi32>
        %select_n3A = arith.select %eq3A_72, %shift_right_logical3A_65, %broadcast_in_dim3A_6 : vector<16xi1>, vector<16xi32>
        %reduce_sum3A = arith.constant true
        %reduce_sum3A_73 = vector.broadcast %reduce_sum3A : i1 to vector<16xi1>
        %reduce_sum3A_74 = tpu.scan <sum>, %select_n3A masked %reduce_sum3A_73 : vector<16xi32>, vector<16xi1> -> vector<16xi32>
        %reduce_sum3A_75 = vector.extract %reduce_sum3A_74[15] : i32 from vector<16xi32>
        %mul3A_76 = arith.constant 128 : i32
        %mul3A_77 = arith.muli %reduce_sum3A_75, %mul3A_76 : i32
        %multiple_of3A = tpu.assume_multiple %mul3A_77, 128 : i32
        %eq3A_78 = arith.cmpi eq, %iota3A, %broadcast_in_dim3A_71 : vector<16xi32>
        %select_n3A_79 = arith.select %eq3A_78, %shift_right_logical3A_68, %broadcast_in_dim3A_6 : vector<16xi1>, vector<16xi32>
        %reduce_sum3A_80 = arith.constant true
        %reduce_sum3A_81 = vector.broadcast %reduce_sum3A_80 : i1 to vector<16xi1>
        %reduce_sum3A_82 = tpu.scan <sum>, %select_n3A_79 masked %reduce_sum3A_81 : vector<16xi32>, vector<16xi1> -> vector<16xi32>
        %reduce_sum3A_83 = vector.extract %reduce_sum3A_82[15] : i32 from vector<16xi32>
        %mul3A_84 = arith.constant 128 : i32
        %mul3A_85 = arith.muli %reduce_sum3A_83, %mul3A_84 : i32
        %multiple_of3A_86 = tpu.assume_multiple %mul3A_85, 128 : i32
        %dma_start3A = arith.constant 0 : i32
        %dma_start3A_87 = arith.constant 0 : i32
        %dma_start3A_88 = arith.constant 0 : i32
        %dma_start3A_89 = tpu.memref_slice %arg9[%dma_start3A, %dma_start3A_87, %dma_start3A_88] : memref<8x32x128xf32, #tpu.memory_space<vmem>> -> memref<1x32x128xf32, #tpu.memory_space<vmem>>
        %dma_start3A_90 = tpu.memref_squeeze %dma_start3A_89 : memref<1x32x128xf32, #tpu.memory_space<vmem>> -> memref<32x128xf32, #tpu.memory_space<vmem>>
        %dma_start3A_91 = arith.constant 0 : i32
        %dma_start3A_92 = tpu.memref_slice %arg4[%dma_start3A_91, %multiple_of3A] : memref<32x1000000xf32, #tpu.memory_space<hbm>> -> memref<32x128xf32, #tpu.memory_space<hbm>>
        %dma_start3A_93 = arith.constant 0 : i32
        %dma_start3A_94 = arith.constant 0 : i32
        %dma_start3A_95 = tpu.memref_slice %arg9[%dma_start3A, %dma_start3A_93, %dma_start3A_94] : memref<8x32x128xf32, #tpu.memory_space<vmem>> -> memref<1x32x128xf32, #tpu.memory_space<vmem>>
        %dma_start3A_96 = tpu.memref_squeeze %dma_start3A_95 : memref<1x32x128xf32, #tpu.memory_space<vmem>> -> memref<32x128xf32, #tpu.memory_space<vmem>>
        %dma_start3A_97 = arith.constant 0 : i32
        %dma_start3A_98 = tpu.memref_slice %arg4[%dma_start3A_97, %multiple_of3A] : memref<32x1000000xf32, #tpu.memory_space<hbm>> -> memref<32x128xf32, #tpu.memory_space<hbm>>
        tpu.enqueue_dma source(%dma_start3A_98 : memref<32x128xf32, #tpu.memory_space<hbm>>) target(%dma_start3A_96 : memref<32x128xf32, #tpu.memory_space<vmem>>) target_semaphore(%arg12 : memref<!tpu.dma_semaphore, #tpu.memory_space<semaphore_mem>>)
        %dma_start3A_99 = arith.constant 0 : i32
        %dma_start3A_100 = arith.constant 0 : i32
        %dma_start3A_101 = arith.constant 0 : i32
        %dma_start3A_102 = tpu.memref_slice %arg10[%dma_start3A_99, %dma_start3A_100, %dma_start3A_101] : memref<8x32x128xf32, #tpu.memory_space<vmem>> -> memref<1x32x128xf32, #tpu.memory_space<vmem>>
        %dma_start3A_103 = tpu.memref_squeeze %dma_start3A_102 : memref<1x32x128xf32, #tpu.memory_space<vmem>> -> memref<32x128xf32, #tpu.memory_space<vmem>>
        %dma_start3A_104 = arith.constant 0 : i32
        %dma_start3A_105 = tpu.memref_slice %arg5[%dma_start3A_104, %multiple_of3A_86] : memref<32x1000000xf32, #tpu.memory_space<hbm>> -> memref<32x128xf32, #tpu.memory_space<hbm>>
        %dma_start3A_106 = arith.constant 0 : i32
        %dma_start3A_107 = arith.constant 0 : i32
        %dma_start3A_108 = tpu.memref_slice %arg10[%dma_start3A_99, %dma_start3A_106, %dma_start3A_107] : memref<8x32x128xf32, #tpu.memory_space<vmem>> -> memref<1x32x128xf32, #tpu.memory_space<vmem>>
        %dma_start3A_109 = tpu.memref_squeeze %dma_start3A_108 : memref<1x32x128xf32, #tpu.memory_space<vmem>> -> memref<32x128xf32, #tpu.memory_space<vmem>>
        %dma_start3A_110 = arith.constant 0 : i32
        %dma_start3A_111 = tpu.memref_slice %arg5[%dma_start3A_110, %multiple_of3A_86] : memref<32x1000000xf32, #tpu.memory_space<hbm>> -> memref<32x128xf32, #tpu.memory_space<hbm>>
        tpu.enqueue_dma source(%dma_start3A_111 : memref<32x128xf32, #tpu.memory_space<hbm>>) target(%dma_start3A_109 : memref<32x128xf32, #tpu.memory_space<vmem>>) target_semaphore(%arg12 : memref<!tpu.dma_semaphore, #tpu.memory_space<semaphore_mem>>)
        %add3A_112 = arith.constant 1 : i32
        %add3A_113 = arith.addi %mul3A_63, %add3A_112 : i32
        %broadcast_in_dim3A_114 = vector.broadcast %add3A_113 : i32 to vector<16xi32>
        %eq3A_115 = arith.cmpi eq, %iota3A, %broadcast_in_dim3A_114 : vector<16xi32>
        %select_n3A_116 = arith.select %eq3A_115, %shift_right_logical3A_65, %broadcast_in_dim3A_6 : vector<16xi1>, vector<16xi32>
        %reduce_sum3A_117 = arith.constant true
        %reduce_sum3A_118 = vector.broadcast %reduce_sum3A_117 : i1 to vector<16xi1>
        %reduce_sum3A_119 = tpu.scan <sum>, %select_n3A_116 masked %reduce_sum3A_118 : vector<16xi32>, vector<16xi1> -> vector<16xi32>
        %reduce_sum3A_120 = vector.extract %reduce_sum3A_119[15] : i32 from vector<16xi32>
        %mul3A_121 = arith.constant 128 : i32
        %mul3A_122 = arith.muli %reduce_sum3A_120, %mul3A_121 : i32
        %multiple_of3A_123 = tpu.assume_multiple %mul3A_122, 128 : i32
        %eq3A_124 = arith.cmpi eq, %iota3A, %broadcast_in_dim3A_114 : vector<16xi32>
        %select_n3A_125 = arith.select %eq3A_124, %shift_right_logical3A_68, %broadcast_in_dim3A_6 : vector<16xi1>, vector<16xi32>
        %reduce_sum3A_126 = arith.constant true
        %reduce_sum3A_127 = vector.broadcast %reduce_sum3A_126 : i1 to vector<16xi1>
        %reduce_sum3A_128 = tpu.scan <sum>, %select_n3A_125 masked %reduce_sum3A_127 : vector<16xi32>, vector<16xi1> -> vector<16xi32>
        %reduce_sum3A_129 = vector.extract %reduce_sum3A_128[15] : i32 from vector<16xi32>
        %mul3A_130 = arith.constant 128 : i32
        %mul3A_131 = arith.muli %reduce_sum3A_129, %mul3A_130 : i32
        %multiple_of3A_132 = tpu.assume_multiple %mul3A_131, 128 : i32
        %dma_start3A_133 = arith.constant 1 : i32
        %dma_start3A_134 = arith.constant 0 : i32
        %dma_start3A_135 = arith.constant 0 : i32
        %dma_start3A_136 = tpu.memref_slice %arg9[%dma_start3A_133, %dma_start3A_134, %dma_start3A_135] : memref<8x32x128xf32, #tpu.memory_space<vmem>> -> memref<1x32x128xf32, #tpu.memory_space<vmem>>
        %dma_start3A_137 = tpu.memref_squeeze %dma_start3A_136 : memref<1x32x128xf32, #tpu.memory_space<vmem>> -> memref<32x128xf32, #tpu.memory_space<vmem>>
        %dma_start3A_138 = arith.constant 0 : i32
        %dma_start3A_139 = tpu.memref_slice %arg4[%dma_start3A_138, %multiple_of3A_123] : memref<32x1000000xf32, #tpu.memory_space<hbm>> -> memref<32x128xf32, #tpu.memory_space<hbm>>
        %dma_start3A_140 = arith.constant 0 : i32
        %dma_start3A_141 = arith.constant 0 : i32
        %dma_start3A_142 = tpu.memref_slice %arg9[%dma_start3A_133, %dma_start3A_140, %dma_start3A_141] : memref<8x32x128xf32, #tpu.memory_space<vmem>> -> memref<1x32x128xf32, #tpu.memory_space<vmem>>
        %dma_start3A_143 = tpu.memref_squeeze %dma_start3A_142 : memref<1x32x128xf32, #tpu.memory_space<vmem>> -> memref<32x128xf32, #tpu.memory_space<vmem>>
        %dma_start3A_144 = arith.constant 0 : i32
        %dma_start3A_145 = tpu.memref_slice %arg4[%dma_start3A_144, %multiple_of3A_123] : memref<32x1000000xf32, #tpu.memory_space<hbm>> -> memref<32x128xf32, #tpu.memory_space<hbm>>
        tpu.enqueue_dma source(%dma_start3A_145 : memref<32x128xf32, #tpu.memory_space<hbm>>) target(%dma_start3A_143 : memref<32x128xf32, #tpu.memory_space<vmem>>) target_semaphore(%arg12 : memref<!tpu.dma_semaphore, #tpu.memory_space<semaphore_mem>>)
        %dma_start3A_146 = arith.constant 1 : i32
        %dma_start3A_147 = arith.constant 0 : i32
        %dma_start3A_148 = arith.constant 0 : i32
        %dma_start3A_149 = tpu.memref_slice %arg10[%dma_start3A_146, %dma_start3A_147, %dma_start3A_148] : memref<8x32x128xf32, #tpu.memory_space<vmem>> -> memref<1x32x128xf32, #tpu.memory_space<vmem>>
        %dma_start3A_150 = tpu.memref_squeeze %dma_start3A_149 : memref<1x32x128xf32, #tpu.memory_space<vmem>> -> memref<32x128xf32, #tpu.memory_space<vmem>>
        %dma_start3A_151 = arith.constant 0 : i32
        %dma_start3A_152 = tpu.memref_slice %arg5[%dma_start3A_151, %multiple_of3A_132] : memref<32x1000000xf32, #tpu.memory_space<hbm>> -> memref<32x128xf32, #tpu.memory_space<hbm>>
        %dma_start3A_153 = arith.constant 0 : i32
        %dma_start3A_154 = arith.constant 0 : i32
        %dma_start3A_155 = tpu.memref_slice %arg10[%dma_start3A_146, %dma_start3A_153, %dma_start3A_154] : memref<8x32x128xf32, #tpu.memory_space<vmem>> -> memref<1x32x128xf32, #tpu.memory_space<vmem>>
        %dma_start3A_156 = tpu.memref_squeeze %dma_start3A_155 : memref<1x32x128xf32, #tpu.memory_space<vmem>> -> memref<32x128xf32, #tpu.memory_space<vmem>>
        %dma_start3A_157 = arith.constant 0 : i32
        %dma_start3A_158 = tpu.memref_slice %arg5[%dma_start3A_157, %multiple_of3A_132] : memref<32x1000000xf32, #tpu.memory_space<hbm>> -> memref<32x128xf32, #tpu.memory_space<hbm>>
        tpu.enqueue_dma source(%dma_start3A_158 : memref<32x128xf32, #tpu.memory_space<hbm>>) target(%dma_start3A_156 : memref<32x128xf32, #tpu.memory_space<vmem>>) target_semaphore(%arg12 : memref<!tpu.dma_semaphore, #tpu.memory_space<semaphore_mem>>)
        %add3A_159 = arith.constant 2 : i32
        %add3A_160 = arith.addi %mul3A_63, %add3A_159 : i32
        %broadcast_in_dim3A_161 = vector.broadcast %add3A_160 : i32 to vector<16xi32>
        %eq3A_162 = arith.cmpi eq, %iota3A, %broadcast_in_dim3A_161 : vector<16xi32>
        %select_n3A_163 = arith.select %eq3A_162, %shift_right_logical3A_65, %broadcast_in_dim3A_6 : vector<16xi1>, vector<16xi32>
        %reduce_sum3A_164 = arith.constant true
        %reduce_sum3A_165 = vector.broadcast %reduce_sum3A_164 : i1 to vector<16xi1>
        %reduce_sum3A_166 = tpu.scan <sum>, %select_n3A_163 masked %reduce_sum3A_165 : vector<16xi32>, vector<16xi1> -> vector<16xi32>
        %reduce_sum3A_167 = vector.extract %reduce_sum3A_166[15] : i32 from vector<16xi32>
        %mul3A_168 = arith.constant 128 : i32
        %mul3A_169 = arith.muli %reduce_sum3A_167, %mul3A_168 : i32
        %multiple_of3A_170 = tpu.assume_multiple %mul3A_169, 128 : i32
        %eq3A_171 = arith.cmpi eq, %iota3A, %broadcast_in_dim3A_161 : vector<16xi32>
        %select_n3A_172 = arith.select %eq3A_171, %shift_right_logical3A_68, %broadcast_in_dim3A_6 : vector<16xi1>, vector<16xi32>
        %reduce_sum3A_173 = arith.constant true
        %reduce_sum3A_174 = vector.broadcast %reduce_sum3A_173 : i1 to vector<16xi1>
        %reduce_sum3A_175 = tpu.scan <sum>, %select_n3A_172 masked %reduce_sum3A_174 : vector<16xi32>, vector<16xi1> -> vector<16xi32>
        %reduce_sum3A_176 = vector.extract %reduce_sum3A_175[15] : i32 from vector<16xi32>
        %mul3A_177 = arith.constant 128 : i32
        %mul3A_178 = arith.muli %reduce_sum3A_176, %mul3A_177 : i32
        %multiple_of3A_179 = tpu.assume_multiple %mul3A_178, 128 : i32
        %dma_start3A_180 = arith.constant 2 : i32
        %dma_start3A_181 = arith.constant 0 : i32
        %dma_start3A_182 = arith.constant 0 : i32
        %dma_start3A_183 = tpu.memref_slice %arg9[%dma_start3A_180, %dma_start3A_181, %dma_start3A_182] : memref<8x32x128xf32, #tpu.memory_space<vmem>> -> memref<1x32x128xf32, #tpu.memory_space<vmem>>
        %dma_start3A_184 = tpu.memref_squeeze %dma_start3A_183 : memref<1x32x128xf32, #tpu.memory_space<vmem>> -> memref<32x128xf32, #tpu.memory_space<vmem>>
        %dma_start3A_185 = arith.constant 0 : i32
        %dma_start3A_186 = tpu.memref_slice %arg4[%dma_start3A_185, %multiple_of3A_170] : memref<32x1000000xf32, #tpu.memory_space<hbm>> -> memref<32x128xf32, #tpu.memory_space<hbm>>
        %dma_start3A_187 = arith.constant 0 : i32
        %dma_start3A_188 = arith.constant 0 : i32
        %dma_start3A_189 = tpu.memref_slice %arg9[%dma_start3A_180, %dma_start3A_187, %dma_start3A_188] : memref<8x32x128xf32, #tpu.memory_space<vmem>> -> memref<1x32x128xf32, #tpu.memory_space<vmem>>
        %dma_start3A_190 = tpu.memref_squeeze %dma_start3A_189 : memref<1x32x128xf32, #tpu.memory_space<vmem>> -> memref<32x128xf32, #tpu.memory_space<vmem>>
        %dma_start3A_191 = arith.constant 0 : i32
        %dma_start3A_192 = tpu.memref_slice %arg4[%dma_start3A_191, %multiple_of3A_170] : memref<32x1000000xf32, #tpu.memory_space<hbm>> -> memref<32x128xf32, #tpu.memory_space<hbm>>
        tpu.enqueue_dma source(%dma_start3A_192 : memref<32x128xf32, #tpu.memory_space<hbm>>) target(%dma_start3A_190 : memref<32x128xf32, #tpu.memory_space<vmem>>) target_semaphore(%arg12 : memref<!tpu.dma_semaphore, #tpu.memory_space<semaphore_mem>>)
        %dma_start3A_193 = arith.constant 2 : i32
        %dma_start3A_194 = arith.constant 0 : i32
        %dma_start3A_195 = arith.constant 0 : i32
        %dma_start3A_196 = tpu.memref_slice %arg10[%dma_start3A_193, %dma_start3A_194, %dma_start3A_195] : memref<8x32x128xf32, #tpu.memory_space<vmem>> -> memref<1x32x128xf32, #tpu.memory_space<vmem>>
        %dma_start3A_197 = tpu.memref_squeeze %dma_start3A_196 : memref<1x32x128xf32, #tpu.memory_space<vmem>> -> memref<32x128xf32, #tpu.memory_space<vmem>>
        %dma_start3A_198 = arith.constant 0 : i32
        %dma_start3A_199 = tpu.memref_slice %arg5[%dma_start3A_198, %multiple_of3A_179] : memref<32x1000000xf32, #tpu.memory_space<hbm>> -> memref<32x128xf32, #tpu.memory_space<hbm>>
        %dma_start3A_200 = arith.constant 0 : i32
        %dma_start3A_201 = arith.constant 0 : i32
        %dma_start3A_202 = tpu.memref_slice %arg10[%dma_start3A_193, %dma_start3A_200, %dma_start3A_201] : memref<8x32x128xf32, #tpu.memory_space<vmem>> -> memref<1x32x128xf32, #tpu.memory_space<vmem>>
        %dma_start3A_203 = tpu.memref_squeeze %dma_start3A_202 : memref<1x32x128xf32, #tpu.memory_space<vmem>> -> memref<32x128xf32, #tpu.memory_space<vmem>>
        %dma_start3A_204 = arith.constant 0 : i32
        %dma_start3A_205 = tpu.memref_slice %arg5[%dma_start3A_204, %multiple_of3A_179] : memref<32x1000000xf32, #tpu.memory_space<hbm>> -> memref<32x128xf32, #tpu.memory_space<hbm>>
        tpu.enqueue_dma source(%dma_start3A_205 : memref<32x128xf32, #tpu.memory_space<hbm>>) target(%dma_start3A_203 : memref<32x128xf32, #tpu.memory_space<vmem>>) target_semaphore(%arg12 : memref<!tpu.dma_semaphore, #tpu.memory_space<semaphore_mem>>)
        %add3A_206 = arith.constant 3 : i32
        %add3A_207 = arith.addi %mul3A_63, %add3A_206 : i32
        %broadcast_in_dim3A_208 = vector.broadcast %add3A_207 : i32 to vector<16xi32>
        %eq3A_209 = arith.cmpi eq, %iota3A, %broadcast_in_dim3A_208 : vector<16xi32>
        %select_n3A_210 = arith.select %eq3A_209, %shift_right_logical3A_65, %broadcast_in_dim3A_6 : vector<16xi1>, vector<16xi32>
        %reduce_sum3A_211 = arith.constant true
        %reduce_sum3A_212 = vector.broadcast %reduce_sum3A_211 : i1 to vector<16xi1>
        %reduce_sum3A_213 = tpu.scan <sum>, %select_n3A_210 masked %reduce_sum3A_212 : vector<16xi32>, vector<16xi1> -> vector<16xi32>
        %reduce_sum3A_214 = vector.extract %reduce_sum3A_213[15] : i32 from vector<16xi32>
        %mul3A_215 = arith.constant 128 : i32
        %mul3A_216 = arith.muli %reduce_sum3A_214, %mul3A_215 : i32
        %multiple_of3A_217 = tpu.assume_multiple %mul3A_216, 128 : i32
        %eq3A_218 = arith.cmpi eq, %iota3A, %broadcast_in_dim3A_208 : vector<16xi32>
        %select_n3A_219 = arith.select %eq3A_218, %shift_right_logical3A_68, %broadcast_in_dim3A_6 : vector<16xi1>, vector<16xi32>
        %reduce_sum3A_220 = arith.constant true
        %reduce_sum3A_221 = vector.broadcast %reduce_sum3A_220 : i1 to vector<16xi1>
        %reduce_sum3A_222 = tpu.scan <sum>, %select_n3A_219 masked %reduce_sum3A_221 : vector<16xi32>, vector<16xi1> -> vector<16xi32>
        %reduce_sum3A_223 = vector.extract %reduce_sum3A_222[15] : i32 from vector<16xi32>
        %mul3A_224 = arith.constant 128 : i32
        %mul3A_225 = arith.muli %reduce_sum3A_223, %mul3A_224 : i32
        %multiple_of3A_226 = tpu.assume_multiple %mul3A_225, 128 : i32
        %dma_start3A_227 = arith.constant 3 : i32
        %dma_start3A_228 = arith.constant 0 : i32
        %dma_start3A_229 = arith.constant 0 : i32
        %dma_start3A_230 = tpu.memref_slice %arg9[%dma_start3A_227, %dma_start3A_228, %dma_start3A_229] : memref<8x32x128xf32, #tpu.memory_space<vmem>> -> memref<1x32x128xf32, #tpu.memory_space<vmem>>
        %dma_start3A_231 = tpu.memref_squeeze %dma_start3A_230 : memref<1x32x128xf32, #tpu.memory_space<vmem>> -> memref<32x128xf32, #tpu.memory_space<vmem>>
        %dma_start3A_232 = arith.constant 0 : i32
        %dma_start3A_233 = tpu.memref_slice %arg4[%dma_start3A_232, %multiple_of3A_217] : memref<32x1000000xf32, #tpu.memory_space<hbm>> -> memref<32x128xf32, #tpu.memory_space<hbm>>
        %dma_start3A_234 = arith.constant 0 : i32
        %dma_start3A_235 = arith.constant 0 : i32
        %dma_start3A_236 = tpu.memref_slice %arg9[%dma_start3A_227, %dma_start3A_234, %dma_start3A_235] : memref<8x32x128xf32, #tpu.memory_space<vmem>> -> memref<1x32x128xf32, #tpu.memory_space<vmem>>
        %dma_start3A_237 = tpu.memref_squeeze %dma_start3A_236 : memref<1x32x128xf32, #tpu.memory_space<vmem>> -> memref<32x128xf32, #tpu.memory_space<vmem>>
        %dma_start3A_238 = arith.constant 0 : i32
        %dma_start3A_239 = tpu.memref_slice %arg4[%dma_start3A_238, %multiple_of3A_217] : memref<32x1000000xf32, #tpu.memory_space<hbm>> -> memref<32x128xf32, #tpu.memory_space<hbm>>
        tpu.enqueue_dma source(%dma_start3A_239 : memref<32x128xf32, #tpu.memory_space<hbm>>) target(%dma_start3A_237 : memref<32x128xf32, #tpu.memory_space<vmem>>) target_semaphore(%arg12 : memref<!tpu.dma_semaphore, #tpu.memory_space<semaphore_mem>>)
        %dma_start3A_240 = arith.constant 3 : i32
        %dma_start3A_241 = arith.constant 0 : i32
        %dma_start3A_242 = arith.constant 0 : i32
        %dma_start3A_243 = tpu.memref_slice %arg10[%dma_start3A_240, %dma_start3A_241, %dma_start3A_242] : memref<8x32x128xf32, #tpu.memory_space<vmem>> -> memref<1x32x128xf32, #tpu.memory_space<vmem>>
        %dma_start3A_244 = tpu.memref_squeeze %dma_start3A_243 : memref<1x32x128xf32, #tpu.memory_space<vmem>> -> memref<32x128xf32, #tpu.memory_space<vmem>>
        %dma_start3A_245 = arith.constant 0 : i32
        %dma_start3A_246 = tpu.memref_slice %arg5[%dma_start3A_245, %multiple_of3A_226] : memref<32x1000000xf32, #tpu.memory_space<hbm>> -> memref<32x128xf32, #tpu.memory_space<hbm>>
        %dma_start3A_247 = arith.constant 0 : i32
        %dma_start3A_248 = arith.constant 0 : i32
        %dma_start3A_249 = tpu.memref_slice %arg10[%dma_start3A_240, %dma_start3A_247, %dma_start3A_248] : memref<8x32x128xf32, #tpu.memory_space<vmem>> -> memref<1x32x128xf32, #tpu.memory_space<vmem>>
        %dma_start3A_250 = tpu.memref_squeeze %dma_start3A_249 : memref<1x32x128xf32, #tpu.memory_space<vmem>> -> memref<32x128xf32, #tpu.memory_space<vmem>>
        %dma_start3A_251 = arith.constant 0 : i32
        %dma_start3A_252 = tpu.memref_slice %arg5[%dma_start3A_251, %multiple_of3A_226] : memref<32x1000000xf32, #tpu.memory_space<hbm>> -> memref<32x128xf32, #tpu.memory_space<hbm>>
        tpu.enqueue_dma source(%dma_start3A_252 : memref<32x128xf32, #tpu.memory_space<hbm>>) target(%dma_start3A_250 : memref<32x128xf32, #tpu.memory_space<vmem>>) target_semaphore(%arg12 : memref<!tpu.dma_semaphore, #tpu.memory_space<semaphore_mem>>)
      } else {
      }
      %lt3A_20 = arith.constant 128 : i32
      %lt3A_21 = arith.cmpi slt, %scan3A_14, %lt3A_20 : i32
      %rem3A_22 = arith.constant 2 : i32
      %rem3A_23 = arith.remsi %scan3A_14, %rem3A_22 : i32
      %eq3A_24 = arith.constant 1 : i32
      %eq3A_25 = arith.cmpi eq, %rem3A_23, %eq3A_24 : i32
      %and3A_26 = arith.andi %lt3A_21, %eq3A_25 : i1
      %convert_element_type3A_27 = arith.extui %and3A_26 : i1 to i32
      %cond3A_28 = arith.constant 0 : i32
      %cond3A_29 = arith.cmpi ne, %convert_element_type3A_27, %cond3A_28 : i32
      scf.if %cond3A_29 {
        %div3A = arith.constant 4 : i32
        %div3A_50 = arith.divsi %scan3A_14, %div3A : i32
        %mul3A_51 = arith.constant 16 : i32
        %mul3A_52 = arith.muli %div3A_50, %mul3A_51 : i32
        %get3A = arith.index_cast %mul3A_52 : i32 to index
        %get3A_53 = tpu.vector_load %arg7[%get3A] {strides = array<i32>} : memref<512xi32, #tpu.memory_space<vmem>>, vector<16xi32>,
        %div3A_54 = arith.constant 4 : i32
        %div3A_55 = arith.divsi %scan3A_14, %div3A_54 : i32
        %mul3A_56 = arith.constant 16 : i32
        %mul3A_57 = arith.muli %div3A_55, %mul3A_56 : i32
        %get3A_58 = arith.index_cast %mul3A_57 : i32 to index
        %get3A_59 = tpu.vector_load %arg8[%get3A_58] {strides = array<i32>} : memref<512xi32, #tpu.memory_space<vmem>>, vector<16xi32>,
        %rem3A_60 = arith.constant 4 : i32
        %rem3A_61 = arith.remsi %scan3A_14, %rem3A_60 : i32
        %mul3A_62 = arith.constant 4 : i32
        %mul3A_63 = arith.muli %rem3A_61, %mul3A_62 : i32
        %shift_right_logical3A = arith.constant 7 : i32
        %shift_right_logical3A_64 = vector.broadcast %shift_right_logical3A : i32 to vector<16xi32>
        %shift_right_logical3A_65 = arith.shrui %get3A_53, %shift_right_logical3A_64 : vector<16xi32>
        %shift_right_logical3A_66 = arith.constant 7 : i32
        %shift_right_logical3A_67 = vector.broadcast %shift_right_logical3A_66 : i32 to vector<16xi32>
        %shift_right_logical3A_68 = arith.shrui %get3A_59, %shift_right_logical3A_67 : vector<16xi32>
        %add3A_69 = arith.constant 0 : i32
        %add3A_70 = arith.addi %mul3A_63, %add3A_69 : i32
        %broadcast_in_dim3A_71 = vector.broadcast %add3A_70 : i32 to vector<16xi32>
        %eq3A_72 = arith.cmpi eq, %iota3A, %broadcast_in_dim3A_71 : vector<16xi32>
        %select_n3A = arith.select %eq3A_72, %shift_right_logical3A_65, %broadcast_in_dim3A_6 : vector<16xi1>, vector<16xi32>
        %reduce_sum3A = arith.constant true
        %reduce_sum3A_73 = vector.broadcast %reduce_sum3A : i1 to vector<16xi1>
        %reduce_sum3A_74 = tpu.scan <sum>, %select_n3A masked %reduce_sum3A_73 : vector<16xi32>, vector<16xi1> -> vector<16xi32>
        %reduce_sum3A_75 = vector.extract %reduce_sum3A_74[15] : i32 from vector<16xi32>
        %mul3A_76 = arith.constant 128 : i32
        %mul3A_77 = arith.muli %reduce_sum3A_75, %mul3A_76 : i32
        %multiple_of3A = tpu.assume_multiple %mul3A_77, 128 : i32
        %eq3A_78 = arith.cmpi eq, %iota3A, %broadcast_in_dim3A_71 : vector<16xi32>
        %select_n3A_79 = arith.select %eq3A_78, %shift_right_logical3A_68, %broadcast_in_dim3A_6 : vector<16xi1>, vector<16xi32>
        %reduce_sum3A_80 = arith.constant true
        %reduce_sum3A_81 = vector.broadcast %reduce_sum3A_80 : i1 to vector<16xi1>
        %reduce_sum3A_82 = tpu.scan <sum>, %select_n3A_79 masked %reduce_sum3A_81 : vector<16xi32>, vector<16xi1> -> vector<16xi32>
        %reduce_sum3A_83 = vector.extract %reduce_sum3A_82[15] : i32 from vector<16xi32>
        %mul3A_84 = arith.constant 128 : i32
        %mul3A_85 = arith.muli %reduce_sum3A_83, %mul3A_84 : i32
        %multiple_of3A_86 = tpu.assume_multiple %mul3A_85, 128 : i32
        %dma_start3A = arith.constant 4 : i32
        %dma_start3A_87 = arith.constant 0 : i32
        %dma_start3A_88 = arith.constant 0 : i32
        %dma_start3A_89 = tpu.memref_slice %arg9[%dma_start3A, %dma_start3A_87, %dma_start3A_88] : memref<8x32x128xf32, #tpu.memory_space<vmem>> -> memref<1x32x128xf32, #tpu.memory_space<vmem>>
        %dma_start3A_90 = tpu.memref_squeeze %dma_start3A_89 : memref<1x32x128xf32, #tpu.memory_space<vmem>> -> memref<32x128xf32, #tpu.memory_space<vmem>>
        %dma_start3A_91 = arith.constant 0 : i32
        %dma_start3A_92 = tpu.memref_slice %arg4[%dma_start3A_91, %multiple_of3A] : memref<32x1000000xf32, #tpu.memory_space<hbm>> -> memref<32x128xf32, #tpu.memory_space<hbm>>
        %dma_start3A_93 = arith.constant 0 : i32
        %dma_start3A_94 = arith.constant 0 : i32
        %dma_start3A_95 = tpu.memref_slice %arg9[%dma_start3A, %dma_start3A_93, %dma_start3A_94] : memref<8x32x128xf32, #tpu.memory_space<vmem>> -> memref<1x32x128xf32, #tpu.memory_space<vmem>>
        %dma_start3A_96 = tpu.memref_squeeze %dma_start3A_95 : memref<1x32x128xf32, #tpu.memory_space<vmem>> -> memref<32x128xf32, #tpu.memory_space<vmem>>
        %dma_start3A_97 = arith.constant 0 : i32
        %dma_start3A_98 = tpu.memref_slice %arg4[%dma_start3A_97, %multiple_of3A] : memref<32x1000000xf32, #tpu.memory_space<hbm>> -> memref<32x128xf32, #tpu.memory_space<hbm>>
        tpu.enqueue_dma source(%dma_start3A_98 : memref<32x128xf32, #tpu.memory_space<hbm>>) target(%dma_start3A_96 : memref<32x128xf32, #tpu.memory_space<vmem>>) target_semaphore(%arg13 : memref<!tpu.dma_semaphore, #tpu.memory_space<semaphore_mem>>)
        %dma_start3A_99 = arith.constant 4 : i32
        %dma_start3A_100 = arith.constant 0 : i32
        %dma_start3A_101 = arith.constant 0 : i32
        %dma_start3A_102 = tpu.memref_slice %arg10[%dma_start3A_99, %dma_start3A_100, %dma_start3A_101] : memref<8x32x128xf32, #tpu.memory_space<vmem>> -> memref<1x32x128xf32, #tpu.memory_space<vmem>>
        %dma_start3A_103 = tpu.memref_squeeze %dma_start3A_102 : memref<1x32x128xf32, #tpu.memory_space<vmem>> -> memref<32x128xf32, #tpu.memory_space<vmem>>
        %dma_start3A_104 = arith.constant 0 : i32
        %dma_start3A_105 = tpu.memref_slice %arg5[%dma_start3A_104, %multiple_of3A_86] : memref<32x1000000xf32, #tpu.memory_space<hbm>> -> memref<32x128xf32, #tpu.memory_space<hbm>>
        %dma_start3A_106 = arith.constant 0 : i32
        %dma_start3A_107 = arith.constant 0 : i32
        %dma_start3A_108 = tpu.memref_slice %arg10[%dma_start3A_99, %dma_start3A_106, %dma_start3A_107] : memref<8x32x128xf32, #tpu.memory_space<vmem>> -> memref<1x32x128xf32, #tpu.memory_space<vmem>>
        %dma_start3A_109 = tpu.memref_squeeze %dma_start3A_108 : memref<1x32x128xf32, #tpu.memory_space<vmem>> -> memref<32x128xf32, #tpu.memory_space<vmem>>
        %dma_start3A_110 = arith.constant 0 : i32
        %dma_start3A_111 = tpu.memref_slice %arg5[%dma_start3A_110, %multiple_of3A_86] : memref<32x1000000xf32, #tpu.memory_space<hbm>> -> memref<32x128xf32, #tpu.memory_space<hbm>>
        tpu.enqueue_dma source(%dma_start3A_111 : memref<32x128xf32, #tpu.memory_space<hbm>>) target(%dma_start3A_109 : memref<32x128xf32, #tpu.memory_space<vmem>>) target_semaphore(%arg13 : memref<!tpu.dma_semaphore, #tpu.memory_space<semaphore_mem>>)
        %add3A_112 = arith.constant 1 : i32
        %add3A_113 = arith.addi %mul3A_63, %add3A_112 : i32
        %broadcast_in_dim3A_114 = vector.broadcast %add3A_113 : i32 to vector<16xi32>
        %eq3A_115 = arith.cmpi eq, %iota3A, %broadcast_in_dim3A_114 : vector<16xi32>
        %select_n3A_116 = arith.select %eq3A_115, %shift_right_logical3A_65, %broadcast_in_dim3A_6 : vector<16xi1>, vector<16xi32>
        %reduce_sum3A_117 = arith.constant true
        %reduce_sum3A_118 = vector.broadcast %reduce_sum3A_117 : i1 to vector<16xi1>
        %reduce_sum3A_119 = tpu.scan <sum>, %select_n3A_116 masked %reduce_sum3A_118 : vector<16xi32>, vector<16xi1> -> vector<16xi32>
        %reduce_sum3A_120 = vector.extract %reduce_sum3A_119[15] : i32 from vector<16xi32>
        %mul3A_121 = arith.constant 128 : i32
        %mul3A_122 = arith.muli %reduce_sum3A_120, %mul3A_121 : i32
        %multiple_of3A_123 = tpu.assume_multiple %mul3A_122, 128 : i32
        %eq3A_124 = arith.cmpi eq, %iota3A, %broadcast_in_dim3A_114 : vector<16xi32>
        %select_n3A_125 = arith.select %eq3A_124, %shift_right_logical3A_68, %broadcast_in_dim3A_6 : vector<16xi1>, vector<16xi32>
        %reduce_sum3A_126 = arith.constant true
        %reduce_sum3A_127 = vector.broadcast %reduce_sum3A_126 : i1 to vector<16xi1>
        %reduce_sum3A_128 = tpu.scan <sum>, %select_n3A_125 masked %reduce_sum3A_127 : vector<16xi32>, vector<16xi1> -> vector<16xi32>
        %reduce_sum3A_129 = vector.extract %reduce_sum3A_128[15] : i32 from vector<16xi32>
        %mul3A_130 = arith.constant 128 : i32
        %mul3A_131 = arith.muli %reduce_sum3A_129, %mul3A_130 : i32
        %multiple_of3A_132 = tpu.assume_multiple %mul3A_131, 128 : i32
        %dma_start3A_133 = arith.constant 5 : i32
        %dma_start3A_134 = arith.constant 0 : i32
        %dma_start3A_135 = arith.constant 0 : i32
        %dma_start3A_136 = tpu.memref_slice %arg9[%dma_start3A_133, %dma_start3A_134, %dma_start3A_135] : memref<8x32x128xf32, #tpu.memory_space<vmem>> -> memref<1x32x128xf32, #tpu.memory_space<vmem>>
        %dma_start3A_137 = tpu.memref_squeeze %dma_start3A_136 : memref<1x32x128xf32, #tpu.memory_space<vmem>> -> memref<32x128xf32, #tpu.memory_space<vmem>>
        %dma_start3A_138 = arith.constant 0 : i32
        %dma_start3A_139 = tpu.memref_slice %arg4[%dma_start3A_138, %multiple_of3A_123] : memref<32x1000000xf32, #tpu.memory_space<hbm>> -> memref<32x128xf32, #tpu.memory_space<hbm>>
        %dma_start3A_140 = arith.constant 0 : i32
        %dma_start3A_141 = arith.constant 0 : i32
        %dma_start3A_142 = tpu.memref_slice %arg9[%dma_start3A_133, %dma_start3A_140, %dma_start3A_141] : memref<8x32x128xf32, #tpu.memory_space<vmem>> -> memref<1x32x128xf32, #tpu.memory_space<vmem>>
        %dma_start3A_143 = tpu.memref_squeeze %dma_start3A_142 : memref<1x32x128xf32, #tpu.memory_space<vmem>> -> memref<32x128xf32, #tpu.memory_space<vmem>>
        %dma_start3A_144 = arith.constant 0 : i32
        %dma_start3A_145 = tpu.memref_slice %arg4[%dma_start3A_144, %multiple_of3A_123] : memref<32x1000000xf32, #tpu.memory_space<hbm>> -> memref<32x128xf32, #tpu.memory_space<hbm>>
        tpu.enqueue_dma source(%dma_start3A_145 : memref<32x128xf32, #tpu.memory_space<hbm>>) target(%dma_start3A_143 : memref<32x128xf32, #tpu.memory_space<vmem>>) target_semaphore(%arg13 : memref<!tpu.dma_semaphore, #tpu.memory_space<semaphore_mem>>)
        %dma_start3A_146 = arith.constant 5 : i32
        %dma_start3A_147 = arith.constant 0 : i32
        %dma_start3A_148 = arith.constant 0 : i32
        %dma_start3A_149 = tpu.memref_slice %arg10[%dma_start3A_146, %dma_start3A_147, %dma_start3A_148] : memref<8x32x128xf32, #tpu.memory_space<vmem>> -> memref<1x32x128xf32, #tpu.memory_space<vmem>>
        %dma_start3A_150 = tpu.memref_squeeze %dma_start3A_149 : memref<1x32x128xf32, #tpu.memory_space<vmem>> -> memref<32x128xf32, #tpu.memory_space<vmem>>
        %dma_start3A_151 = arith.constant 0 : i32
        %dma_start3A_152 = tpu.memref_slice %arg5[%dma_start3A_151, %multiple_of3A_132] : memref<32x1000000xf32, #tpu.memory_space<hbm>> -> memref<32x128xf32, #tpu.memory_space<hbm>>
        %dma_start3A_153 = arith.constant 0 : i32
        %dma_start3A_154 = arith.constant 0 : i32
        %dma_start3A_155 = tpu.memref_slice %arg10[%dma_start3A_146, %dma_start3A_153, %dma_start3A_154] : memref<8x32x128xf32, #tpu.memory_space<vmem>> -> memref<1x32x128xf32, #tpu.memory_space<vmem>>
        %dma_start3A_156 = tpu.memref_squeeze %dma_start3A_155 : memref<1x32x128xf32, #tpu.memory_space<vmem>> -> memref<32x128xf32, #tpu.memory_space<vmem>>
        %dma_start3A_157 = arith.constant 0 : i32
        %dma_start3A_158 = tpu.memref_slice %arg5[%dma_start3A_157, %multiple_of3A_132] : memref<32x1000000xf32, #tpu.memory_space<hbm>> -> memref<32x128xf32, #tpu.memory_space<hbm>>
        tpu.enqueue_dma source(%dma_start3A_158 : memref<32x128xf32, #tpu.memory_space<hbm>>) target(%dma_start3A_156 : memref<32x128xf32, #tpu.memory_space<vmem>>) target_semaphore(%arg13 : memref<!tpu.dma_semaphore, #tpu.memory_space<semaphore_mem>>)
        %add3A_159 = arith.constant 2 : i32
        %add3A_160 = arith.addi %mul3A_63, %add3A_159 : i32
        %broadcast_in_dim3A_161 = vector.broadcast %add3A_160 : i32 to vector<16xi32>
        %eq3A_162 = arith.cmpi eq, %iota3A, %broadcast_in_dim3A_161 : vector<16xi32>
        %select_n3A_163 = arith.select %eq3A_162, %shift_right_logical3A_65, %broadcast_in_dim3A_6 : vector<16xi1>, vector<16xi32>
        %reduce_sum3A_164 = arith.constant true
        %reduce_sum3A_165 = vector.broadcast %reduce_sum3A_164 : i1 to vector<16xi1>
        %reduce_sum3A_166 = tpu.scan <sum>, %select_n3A_163 masked %reduce_sum3A_165 : vector<16xi32>, vector<16xi1> -> vector<16xi32>
        %reduce_sum3A_167 = vector.extract %reduce_sum3A_166[15] : i32 from vector<16xi32>
        %mul3A_168 = arith.constant 128 : i32
        %mul3A_169 = arith.muli %reduce_sum3A_167, %mul3A_168 : i32
        %multiple_of3A_170 = tpu.assume_multiple %mul3A_169, 128 : i32
        %eq3A_171 = arith.cmpi eq, %iota3A, %broadcast_in_dim3A_161 : vector<16xi32>
        %select_n3A_172 = arith.select %eq3A_171, %shift_right_logical3A_68, %broadcast_in_dim3A_6 : vector<16xi1>, vector<16xi32>
        %reduce_sum3A_173 = arith.constant true
        %reduce_sum3A_174 = vector.broadcast %reduce_sum3A_173 : i1 to vector<16xi1>
        %reduce_sum3A_175 = tpu.scan <sum>, %select_n3A_172 masked %reduce_sum3A_174 : vector<16xi32>, vector<16xi1> -> vector<16xi32>
        %reduce_sum3A_176 = vector.extract %reduce_sum3A_175[15] : i32 from vector<16xi32>
        %mul3A_177 = arith.constant 128 : i32
        %mul3A_178 = arith.muli %reduce_sum3A_176, %mul3A_177 : i32
        %multiple_of3A_179 = tpu.assume_multiple %mul3A_178, 128 : i32
        %dma_start3A_180 = arith.constant 6 : i32
        %dma_start3A_181 = arith.constant 0 : i32
        %dma_start3A_182 = arith.constant 0 : i32
        %dma_start3A_183 = tpu.memref_slice %arg9[%dma_start3A_180, %dma_start3A_181, %dma_start3A_182] : memref<8x32x128xf32, #tpu.memory_space<vmem>> -> memref<1x32x128xf32, #tpu.memory_space<vmem>>
        %dma_start3A_184 = tpu.memref_squeeze %dma_start3A_183 : memref<1x32x128xf32, #tpu.memory_space<vmem>> -> memref<32x128xf32, #tpu.memory_space<vmem>>
        %dma_start3A_185 = arith.constant 0 : i32
        %dma_start3A_186 = tpu.memref_slice %arg4[%dma_start3A_185, %multiple_of3A_170] : memref<32x1000000xf32, #tpu.memory_space<hbm>> -> memref<32x128xf32, #tpu.memory_space<hbm>>
        %dma_start3A_187 = arith.constant 0 : i32
        %dma_start3A_188 = arith.constant 0 : i32
        %dma_start3A_189 = tpu.memref_slice %arg9[%dma_start3A_180, %dma_start3A_187, %dma_start3A_188] : memref<8x32x128xf32, #tpu.memory_space<vmem>> -> memref<1x32x128xf32, #tpu.memory_space<vmem>>
        %dma_start3A_190 = tpu.memref_squeeze %dma_start3A_189 : memref<1x32x128xf32, #tpu.memory_space<vmem>> -> memref<32x128xf32, #tpu.memory_space<vmem>>
        %dma_start3A_191 = arith.constant 0 : i32
        %dma_start3A_192 = tpu.memref_slice %arg4[%dma_start3A_191, %multiple_of3A_170] : memref<32x1000000xf32, #tpu.memory_space<hbm>> -> memref<32x128xf32, #tpu.memory_space<hbm>>
        tpu.enqueue_dma source(%dma_start3A_192 : memref<32x128xf32, #tpu.memory_space<hbm>>) target(%dma_start3A_190 : memref<32x128xf32, #tpu.memory_space<vmem>>) target_semaphore(%arg13 : memref<!tpu.dma_semaphore, #tpu.memory_space<semaphore_mem>>)
        %dma_start3A_193 = arith.constant 6 : i32
        %dma_start3A_194 = arith.constant 0 : i32
        %dma_start3A_195 = arith.constant 0 : i32
        %dma_start3A_196 = tpu.memref_slice %arg10[%dma_start3A_193, %dma_start3A_194, %dma_start3A_195] : memref<8x32x128xf32, #tpu.memory_space<vmem>> -> memref<1x32x128xf32, #tpu.memory_space<vmem>>
        %dma_start3A_197 = tpu.memref_squeeze %dma_start3A_196 : memref<1x32x128xf32, #tpu.memory_space<vmem>> -> memref<32x128xf32, #tpu.memory_space<vmem>>
        %dma_start3A_198 = arith.constant 0 : i32
        %dma_start3A_199 = tpu.memref_slice %arg5[%dma_start3A_198, %multiple_of3A_179] : memref<32x1000000xf32, #tpu.memory_space<hbm>> -> memref<32x128xf32, #tpu.memory_space<hbm>>
        %dma_start3A_200 = arith.constant 0 : i32
        %dma_start3A_201 = arith.constant 0 : i32
        %dma_start3A_202 = tpu.memref_slice %arg10[%dma_start3A_193, %dma_start3A_200, %dma_start3A_201] : memref<8x32x128xf32, #tpu.memory_space<vmem>> -> memref<1x32x128xf32, #tpu.memory_space<vmem>>
        %dma_start3A_203 = tpu.memref_squeeze %dma_start3A_202 : memref<1x32x128xf32, #tpu.memory_space<vmem>> -> memref<32x128xf32, #tpu.memory_space<vmem>>
        %dma_start3A_204 = arith.constant 0 : i32
        %dma_start3A_205 = tpu.memref_slice %arg5[%dma_start3A_204, %multiple_of3A_179] : memref<32x1000000xf32, #tpu.memory_space<hbm>> -> memref<32x128xf32, #tpu.memory_space<hbm>>
        tpu.enqueue_dma source(%dma_start3A_205 : memref<32x128xf32, #tpu.memory_space<hbm>>) target(%dma_start3A_203 : memref<32x128xf32, #tpu.memory_space<vmem>>) target_semaphore(%arg13 : memref<!tpu.dma_semaphore, #tpu.memory_space<semaphore_mem>>)
        %add3A_206 = arith.constant 3 : i32
        %add3A_207 = arith.addi %mul3A_63, %add3A_206 : i32
        %broadcast_in_dim3A_208 = vector.broadcast %add3A_207 : i32 to vector<16xi32>
        %eq3A_209 = arith.cmpi eq, %iota3A, %broadcast_in_dim3A_208 : vector<16xi32>
        %select_n3A_210 = arith.select %eq3A_209, %shift_right_logical3A_65, %broadcast_in_dim3A_6 : vector<16xi1>, vector<16xi32>
        %reduce_sum3A_211 = arith.constant true
        %reduce_sum3A_212 = vector.broadcast %reduce_sum3A_211 : i1 to vector<16xi1>
        %reduce_sum3A_213 = tpu.scan <sum>, %select_n3A_210 masked %reduce_sum3A_212 : vector<16xi32>, vector<16xi1> -> vector<16xi32>
        %reduce_sum3A_214 = vector.extract %reduce_sum3A_213[15] : i32 from vector<16xi32>
        %mul3A_215 = arith.constant 128 : i32
        %mul3A_216 = arith.muli %reduce_sum3A_214, %mul3A_215 : i32
        %multiple_of3A_217 = tpu.assume_multiple %mul3A_216, 128 : i32
        %eq3A_218 = arith.cmpi eq, %iota3A, %broadcast_in_dim3A_208 : vector<16xi32>
        %select_n3A_219 = arith.select %eq3A_218, %shift_right_logical3A_68, %broadcast_in_dim3A_6 : vector<16xi1>, vector<16xi32>
        %reduce_sum3A_220 = arith.constant true
        %reduce_sum3A_221 = vector.broadcast %reduce_sum3A_220 : i1 to vector<16xi1>
        %reduce_sum3A_222 = tpu.scan <sum>, %select_n3A_219 masked %reduce_sum3A_221 : vector<16xi32>, vector<16xi1> -> vector<16xi32>
        %reduce_sum3A_223 = vector.extract %reduce_sum3A_222[15] : i32 from vector<16xi32>
        %mul3A_224 = arith.constant 128 : i32
        %mul3A_225 = arith.muli %reduce_sum3A_223, %mul3A_224 : i32
        %multiple_of3A_226 = tpu.assume_multiple %mul3A_225, 128 : i32
        %dma_start3A_227 = arith.constant 7 : i32
        %dma_start3A_228 = arith.constant 0 : i32
        %dma_start3A_229 = arith.constant 0 : i32
        %dma_start3A_230 = tpu.memref_slice %arg9[%dma_start3A_227, %dma_start3A_228, %dma_start3A_229] : memref<8x32x128xf32, #tpu.memory_space<vmem>> -> memref<1x32x128xf32, #tpu.memory_space<vmem>>
        %dma_start3A_231 = tpu.memref_squeeze %dma_start3A_230 : memref<1x32x128xf32, #tpu.memory_space<vmem>> -> memref<32x128xf32, #tpu.memory_space<vmem>>
        %dma_start3A_232 = arith.constant 0 : i32
        %dma_start3A_233 = tpu.memref_slice %arg4[%dma_start3A_232, %multiple_of3A_217] : memref<32x1000000xf32, #tpu.memory_space<hbm>> -> memref<32x128xf32, #tpu.memory_space<hbm>>
        %dma_start3A_234 = arith.constant 0 : i32
        %dma_start3A_235 = arith.constant 0 : i32
        %dma_start3A_236 = tpu.memref_slice %arg9[%dma_start3A_227, %dma_start3A_234, %dma_start3A_235] : memref<8x32x128xf32, #tpu.memory_space<vmem>> -> memref<1x32x128xf32, #tpu.memory_space<vmem>>
        %dma_start3A_237 = tpu.memref_squeeze %dma_start3A_236 : memref<1x32x128xf32, #tpu.memory_space<vmem>> -> memref<32x128xf32, #tpu.memory_space<vmem>>
        %dma_start3A_238 = arith.constant 0 : i32
        %dma_start3A_239 = tpu.memref_slice %arg4[%dma_start3A_238, %multiple_of3A_217] : memref<32x1000000xf32, #tpu.memory_space<hbm>> -> memref<32x128xf32, #tpu.memory_space<hbm>>
        tpu.enqueue_dma source(%dma_start3A_239 : memref<32x128xf32, #tpu.memory_space<hbm>>) target(%dma_start3A_237 : memref<32x128xf32, #tpu.memory_space<vmem>>) target_semaphore(%arg13 : memref<!tpu.dma_semaphore, #tpu.memory_space<semaphore_mem>>)
        %dma_start3A_240 = arith.constant 7 : i32
        %dma_start3A_241 = arith.constant 0 : i32
        %dma_start3A_242 = arith.constant 0 : i32
        %dma_start3A_243 = tpu.memref_slice %arg10[%dma_start3A_240, %dma_start3A_241, %dma_start3A_242] : memref<8x32x128xf32, #tpu.memory_space<vmem>> -> memref<1x32x128xf32, #tpu.memory_space<vmem>>
        %dma_start3A_244 = tpu.memref_squeeze %dma_start3A_243 : memref<1x32x128xf32, #tpu.memory_space<vmem>> -> memref<32x128xf32, #tpu.memory_space<vmem>>
        %dma_start3A_245 = arith.constant 0 : i32
        %dma_start3A_246 = tpu.memref_slice %arg5[%dma_start3A_245, %multiple_of3A_226] : memref<32x1000000xf32, #tpu.memory_space<hbm>> -> memref<32x128xf32, #tpu.memory_space<hbm>>
        %dma_start3A_247 = arith.constant 0 : i32
        %dma_start3A_248 = arith.constant 0 : i32
        %dma_start3A_249 = tpu.memref_slice %arg10[%dma_start3A_240, %dma_start3A_247, %dma_start3A_248] : memref<8x32x128xf32, #tpu.memory_space<vmem>> -> memref<1x32x128xf32, #tpu.memory_space<vmem>>
        %dma_start3A_250 = tpu.memref_squeeze %dma_start3A_249 : memref<1x32x128xf32, #tpu.memory_space<vmem>> -> memref<32x128xf32, #tpu.memory_space<vmem>>
        %dma_start3A_251 = arith.constant 0 : i32
        %dma_start3A_252 = tpu.memref_slice %arg5[%dma_start3A_251, %multiple_of3A_226] : memref<32x1000000xf32, #tpu.memory_space<hbm>> -> memref<32x128xf32, #tpu.memory_space<hbm>>
        tpu.enqueue_dma source(%dma_start3A_252 : memref<32x128xf32, #tpu.memory_space<hbm>>) target(%dma_start3A_250 : memref<32x128xf32, #tpu.memory_space<vmem>>) target_semaphore(%arg13 : memref<!tpu.dma_semaphore, #tpu.memory_space<semaphore_mem>>)
      } else {
      }
      %ge3A = arith.constant 1 : i32
      %ge3A_30 = arith.cmpi sge, %scan3A_14, %ge3A : i32
      %convert_element_type3A_31 = arith.extui %ge3A_30 : i1 to i32
      %cond3A_32 = arith.constant 0 : i32
      %cond3A_33 = arith.cmpi ne, %convert_element_type3A_31, %cond3A_32 : i32
      scf.if %cond3A_33 {
        %sub3A = arith.constant 1 : i32
        %sub3A_50 = arith.subi %scan3A_14, %sub3A : i32
        %rem3A_51 = arith.constant 2 : i32
        %rem3A_52 = arith.remsi %sub3A_50, %rem3A_51 : i32
        %eq3A_53 = arith.constant 0 : i32
        %eq3A_54 = arith.cmpi eq, %rem3A_52, %eq3A_53 : i32
        %convert_element_type3A_55 = arith.extui %eq3A_54 : i1 to i32
        %cond3A_56 = arith.constant 0 : i32
        %cond3A_57 = arith.cmpi ne, %convert_element_type3A_55, %cond3A_56 : i32
        scf.if %cond3A_57 {
          %dma_wait3A = arith.constant 0 : i32
          %dma_wait3A_67 = arith.constant 0 : i32
          %dma_wait3A_68 = arith.constant 0 : i32
          %dma_wait3A_69 = tpu.memref_slice %arg9[%dma_wait3A, %dma_wait3A_67, %dma_wait3A_68] : memref<8x32x128xf32, #tpu.memory_space<vmem>> -> memref<1x32x128xf32, #tpu.memory_space<vmem>>
          %dma_wait3A_70 = tpu.memref_squeeze %dma_wait3A_69 : memref<1x32x128xf32, #tpu.memory_space<vmem>> -> memref<32x128xf32, #tpu.memory_space<vmem>>
          %dma_wait3A_71 = arith.constant 0 : i32
          %dma_wait3A_72 = arith.constant 0 : i32
          %dma_wait3A_73 = tpu.memref_slice %arg4[%dma_wait3A_71, %dma_wait3A_72] : memref<32x1000000xf32, #tpu.memory_space<hbm>> -> memref<32x128xf32, #tpu.memory_space<hbm>>
          %dma_wait3A_74 = arith.constant 0 : i32
          %dma_wait3A_75 = arith.constant 0 : i32
          %dma_wait3A_76 = tpu.memref_slice %arg9[%dma_wait3A, %dma_wait3A_74, %dma_wait3A_75] : memref<8x32x128xf32, #tpu.memory_space<vmem>> -> memref<1x32x128xf32, #tpu.memory_space<vmem>>
          %dma_wait3A_77 = tpu.memref_squeeze %dma_wait3A_76 : memref<1x32x128xf32, #tpu.memory_space<vmem>> -> memref<32x128xf32, #tpu.memory_space<vmem>>
          %dma_wait3A_78 = arith.constant 0 : i32
          %dma_wait3A_79 = arith.constant 0 : i32
          %dma_wait3A_80 = tpu.memref_slice %arg4[%dma_wait3A_78, %dma_wait3A_79] : memref<32x1000000xf32, #tpu.memory_space<hbm>> -> memref<32x128xf32, #tpu.memory_space<hbm>>
          tpu.wait_dma2 semaphore(%arg12 : memref<!tpu.dma_semaphore, #tpu.memory_space<semaphore_mem>>) src(%dma_wait3A_80 : memref<32x128xf32, #tpu.memory_space<hbm>>) dst(%dma_wait3A_77 : memref<32x128xf32, #tpu.memory_space<vmem>>)
          %dma_wait3A_81 = arith.constant 0 : i32
          %dma_wait3A_82 = arith.constant 0 : i32
          %dma_wait3A_83 = arith.constant 0 : i32
          %dma_wait3A_84 = tpu.memref_slice %arg9[%dma_wait3A_81, %dma_wait3A_82, %dma_wait3A_83] : memref<8x32x128xf32, #tpu.memory_space<vmem>> -> memref<1x32x128xf32, #tpu.memory_space<vmem>>
          %dma_wait3A_85 = tpu.memref_squeeze %dma_wait3A_84 : memref<1x32x128xf32, #tpu.memory_space<vmem>> -> memref<32x128xf32, #tpu.memory_space<vmem>>
          %dma_wait3A_86 = arith.constant 0 : i32
          %dma_wait3A_87 = arith.constant 0 : i32
          %dma_wait3A_88 = tpu.memref_slice %arg4[%dma_wait3A_86, %dma_wait3A_87] : memref<32x1000000xf32, #tpu.memory_space<hbm>> -> memref<32x128xf32, #tpu.memory_space<hbm>>
          %dma_wait3A_89 = arith.constant 0 : i32
          %dma_wait3A_90 = arith.constant 0 : i32
          %dma_wait3A_91 = tpu.memref_slice %arg9[%dma_wait3A_81, %dma_wait3A_89, %dma_wait3A_90] : memref<8x32x128xf32, #tpu.memory_space<vmem>> -> memref<1x32x128xf32, #tpu.memory_space<vmem>>
          %dma_wait3A_92 = tpu.memref_squeeze %dma_wait3A_91 : memref<1x32x128xf32, #tpu.memory_space<vmem>> -> memref<32x128xf32, #tpu.memory_space<vmem>>
          %dma_wait3A_93 = arith.constant 0 : i32
          %dma_wait3A_94 = arith.constant 0 : i32
          %dma_wait3A_95 = tpu.memref_slice %arg4[%dma_wait3A_93, %dma_wait3A_94] : memref<32x1000000xf32, #tpu.memory_space<hbm>> -> memref<32x128xf32, #tpu.memory_space<hbm>>
          tpu.wait_dma2 semaphore(%arg12 : memref<!tpu.dma_semaphore, #tpu.memory_space<semaphore_mem>>) src(%dma_wait3A_95 : memref<32x128xf32, #tpu.memory_space<hbm>>) dst(%dma_wait3A_92 : memref<32x128xf32, #tpu.memory_space<vmem>>)
          %dma_wait3A_96 = arith.constant 0 : i32
          %dma_wait3A_97 = arith.constant 0 : i32
          %dma_wait3A_98 = arith.constant 0 : i32
          %dma_wait3A_99 = tpu.memref_slice %arg9[%dma_wait3A_96, %dma_wait3A_97, %dma_wait3A_98] : memref<8x32x128xf32, #tpu.memory_space<vmem>> -> memref<1x32x128xf32, #tpu.memory_space<vmem>>
          %dma_wait3A_100 = tpu.memref_squeeze %dma_wait3A_99 : memref<1x32x128xf32, #tpu.memory_space<vmem>> -> memref<32x128xf32, #tpu.memory_space<vmem>>
          %dma_wait3A_101 = arith.constant 0 : i32
          %dma_wait3A_102 = arith.constant 0 : i32
          %dma_wait3A_103 = tpu.memref_slice %arg4[%dma_wait3A_101, %dma_wait3A_102] : memref<32x1000000xf32, #tpu.memory_space<hbm>> -> memref<32x128xf32, #tpu.memory_space<hbm>>
          %dma_wait3A_104 = arith.constant 0 : i32
          %dma_wait3A_105 = arith.constant 0 : i32
          %dma_wait3A_106 = tpu.memref_slice %arg9[%dma_wait3A_96, %dma_wait3A_104, %dma_wait3A_105] : memref<8x32x128xf32, #tpu.memory_space<vmem>> -> memref<1x32x128xf32, #tpu.memory_space<vmem>>
          %dma_wait3A_107 = tpu.memref_squeeze %dma_wait3A_106 : memref<1x32x128xf32, #tpu.memory_space<vmem>> -> memref<32x128xf32, #tpu.memory_space<vmem>>
          %dma_wait3A_108 = arith.constant 0 : i32
          %dma_wait3A_109 = arith.constant 0 : i32
          %dma_wait3A_110 = tpu.memref_slice %arg4[%dma_wait3A_108, %dma_wait3A_109] : memref<32x1000000xf32, #tpu.memory_space<hbm>> -> memref<32x128xf32, #tpu.memory_space<hbm>>
          tpu.wait_dma2 semaphore(%arg12 : memref<!tpu.dma_semaphore, #tpu.memory_space<semaphore_mem>>) src(%dma_wait3A_110 : memref<32x128xf32, #tpu.memory_space<hbm>>) dst(%dma_wait3A_107 : memref<32x128xf32, #tpu.memory_space<vmem>>)
          %dma_wait3A_111 = arith.constant 0 : i32
          %dma_wait3A_112 = arith.constant 0 : i32
          %dma_wait3A_113 = arith.constant 0 : i32
          %dma_wait3A_114 = tpu.memref_slice %arg9[%dma_wait3A_111, %dma_wait3A_112, %dma_wait3A_113] : memref<8x32x128xf32, #tpu.memory_space<vmem>> -> memref<1x32x128xf32, #tpu.memory_space<vmem>>
          %dma_wait3A_115 = tpu.memref_squeeze %dma_wait3A_114 : memref<1x32x128xf32, #tpu.memory_space<vmem>> -> memref<32x128xf32, #tpu.memory_space<vmem>>
          %dma_wait3A_116 = arith.constant 0 : i32
          %dma_wait3A_117 = arith.constant 0 : i32
          %dma_wait3A_118 = tpu.memref_slice %arg4[%dma_wait3A_116, %dma_wait3A_117] : memref<32x1000000xf32, #tpu.memory_space<hbm>> -> memref<32x128xf32, #tpu.memory_space<hbm>>
          %dma_wait3A_119 = arith.constant 0 : i32
          %dma_wait3A_120 = arith.constant 0 : i32
          %dma_wait3A_121 = tpu.memref_slice %arg9[%dma_wait3A_111, %dma_wait3A_119, %dma_wait3A_120] : memref<8x32x128xf32, #tpu.memory_space<vmem>> -> memref<1x32x128xf32, #tpu.memory_space<vmem>>
          %dma_wait3A_122 = tpu.memref_squeeze %dma_wait3A_121 : memref<1x32x128xf32, #tpu.memory_space<vmem>> -> memref<32x128xf32, #tpu.memory_space<vmem>>
          %dma_wait3A_123 = arith.constant 0 : i32
          %dma_wait3A_124 = arith.constant 0 : i32
          %dma_wait3A_125 = tpu.memref_slice %arg4[%dma_wait3A_123, %dma_wait3A_124] : memref<32x1000000xf32, #tpu.memory_space<hbm>> -> memref<32x128xf32, #tpu.memory_space<hbm>>
          tpu.wait_dma2 semaphore(%arg12 : memref<!tpu.dma_semaphore, #tpu.memory_space<semaphore_mem>>) src(%dma_wait3A_125 : memref<32x128xf32, #tpu.memory_space<hbm>>) dst(%dma_wait3A_122 : memref<32x128xf32, #tpu.memory_space<vmem>>)
          %dma_wait3A_126 = arith.constant 0 : i32
          %dma_wait3A_127 = arith.constant 0 : i32
          %dma_wait3A_128 = arith.constant 0 : i32
          %dma_wait3A_129 = tpu.memref_slice %arg9[%dma_wait3A_126, %dma_wait3A_127, %dma_wait3A_128] : memref<8x32x128xf32, #tpu.memory_space<vmem>> -> memref<1x32x128xf32, #tpu.memory_space<vmem>>
          %dma_wait3A_130 = tpu.memref_squeeze %dma_wait3A_129 : memref<1x32x128xf32, #tpu.memory_space<vmem>> -> memref<32x128xf32, #tpu.memory_space<vmem>>
          %dma_wait3A_131 = arith.constant 0 : i32
          %dma_wait3A_132 = arith.constant 0 : i32
          %dma_wait3A_133 = tpu.memref_slice %arg4[%dma_wait3A_131, %dma_wait3A_132] : memref<32x1000000xf32, #tpu.memory_space<hbm>> -> memref<32x128xf32, #tpu.memory_space<hbm>>
          %dma_wait3A_134 = arith.constant 0 : i32
          %dma_wait3A_135 = arith.constant 0 : i32
          %dma_wait3A_136 = tpu.memref_slice %arg9[%dma_wait3A_126, %dma_wait3A_134, %dma_wait3A_135] : memref<8x32x128xf32, #tpu.memory_space<vmem>> -> memref<1x32x128xf32, #tpu.memory_space<vmem>>
          %dma_wait3A_137 = tpu.memref_squeeze %dma_wait3A_136 : memref<1x32x128xf32, #tpu.memory_space<vmem>> -> memref<32x128xf32, #tpu.memory_space<vmem>>
          %dma_wait3A_138 = arith.constant 0 : i32
          %dma_wait3A_139 = arith.constant 0 : i32
          %dma_wait3A_140 = tpu.memref_slice %arg4[%dma_wait3A_138, %dma_wait3A_139] : memref<32x1000000xf32, #tpu.memory_space<hbm>> -> memref<32x128xf32, #tpu.memory_space<hbm>>
          tpu.wait_dma2 semaphore(%arg12 : memref<!tpu.dma_semaphore, #tpu.memory_space<semaphore_mem>>) src(%dma_wait3A_140 : memref<32x128xf32, #tpu.memory_space<hbm>>) dst(%dma_wait3A_137 : memref<32x128xf32, #tpu.memory_space<vmem>>)
          %dma_wait3A_141 = arith.constant 0 : i32
          %dma_wait3A_142 = arith.constant 0 : i32
          %dma_wait3A_143 = arith.constant 0 : i32
          %dma_wait3A_144 = tpu.memref_slice %arg9[%dma_wait3A_141, %dma_wait3A_142, %dma_wait3A_143] : memref<8x32x128xf32, #tpu.memory_space<vmem>> -> memref<1x32x128xf32, #tpu.memory_space<vmem>>
          %dma_wait3A_145 = tpu.memref_squeeze %dma_wait3A_144 : memref<1x32x128xf32, #tpu.memory_space<vmem>> -> memref<32x128xf32, #tpu.memory_space<vmem>>
          %dma_wait3A_146 = arith.constant 0 : i32
          %dma_wait3A_147 = arith.constant 0 : i32
          %dma_wait3A_148 = tpu.memref_slice %arg4[%dma_wait3A_146, %dma_wait3A_147] : memref<32x1000000xf32, #tpu.memory_space<hbm>> -> memref<32x128xf32, #tpu.memory_space<hbm>>
          %dma_wait3A_149 = arith.constant 0 : i32
          %dma_wait3A_150 = arith.constant 0 : i32
          %dma_wait3A_151 = tpu.memref_slice %arg9[%dma_wait3A_141, %dma_wait3A_149, %dma_wait3A_150] : memref<8x32x128xf32, #tpu.memory_space<vmem>> -> memref<1x32x128xf32, #tpu.memory_space<vmem>>
          %dma_wait3A_152 = tpu.memref_squeeze %dma_wait3A_151 : memref<1x32x128xf32, #tpu.memory_space<vmem>> -> memref<32x128xf32, #tpu.memory_space<vmem>>
          %dma_wait3A_153 = arith.constant 0 : i32
          %dma_wait3A_154 = arith.constant 0 : i32
          %dma_wait3A_155 = tpu.memref_slice %arg4[%dma_wait3A_153, %dma_wait3A_154] : memref<32x1000000xf32, #tpu.memory_space<hbm>> -> memref<32x128xf32, #tpu.memory_space<hbm>>
          tpu.wait_dma2 semaphore(%arg12 : memref<!tpu.dma_semaphore, #tpu.memory_space<semaphore_mem>>) src(%dma_wait3A_155 : memref<32x128xf32, #tpu.memory_space<hbm>>) dst(%dma_wait3A_152 : memref<32x128xf32, #tpu.memory_space<vmem>>)
          %dma_wait3A_156 = arith.constant 0 : i32
          %dma_wait3A_157 = arith.constant 0 : i32
          %dma_wait3A_158 = arith.constant 0 : i32
          %dma_wait3A_159 = tpu.memref_slice %arg9[%dma_wait3A_156, %dma_wait3A_157, %dma_wait3A_158] : memref<8x32x128xf32, #tpu.memory_space<vmem>> -> memref<1x32x128xf32, #tpu.memory_space<vmem>>
          %dma_wait3A_160 = tpu.memref_squeeze %dma_wait3A_159 : memref<1x32x128xf32, #tpu.memory_space<vmem>> -> memref<32x128xf32, #tpu.memory_space<vmem>>
          %dma_wait3A_161 = arith.constant 0 : i32
          %dma_wait3A_162 = arith.constant 0 : i32
          %dma_wait3A_163 = tpu.memref_slice %arg4[%dma_wait3A_161, %dma_wait3A_162] : memref<32x1000000xf32, #tpu.memory_space<hbm>> -> memref<32x128xf32, #tpu.memory_space<hbm>>
          %dma_wait3A_164 = arith.constant 0 : i32
          %dma_wait3A_165 = arith.constant 0 : i32
          %dma_wait3A_166 = tpu.memref_slice %arg9[%dma_wait3A_156, %dma_wait3A_164, %dma_wait3A_165] : memref<8x32x128xf32, #tpu.memory_space<vmem>> -> memref<1x32x128xf32, #tpu.memory_space<vmem>>
          %dma_wait3A_167 = tpu.memref_squeeze %dma_wait3A_166 : memref<1x32x128xf32, #tpu.memory_space<vmem>> -> memref<32x128xf32, #tpu.memory_space<vmem>>
          %dma_wait3A_168 = arith.constant 0 : i32
          %dma_wait3A_169 = arith.constant 0 : i32
          %dma_wait3A_170 = tpu.memref_slice %arg4[%dma_wait3A_168, %dma_wait3A_169] : memref<32x1000000xf32, #tpu.memory_space<hbm>> -> memref<32x128xf32, #tpu.memory_space<hbm>>
          tpu.wait_dma2 semaphore(%arg12 : memref<!tpu.dma_semaphore, #tpu.memory_space<semaphore_mem>>) src(%dma_wait3A_170 : memref<32x128xf32, #tpu.memory_space<hbm>>) dst(%dma_wait3A_167 : memref<32x128xf32, #tpu.memory_space<vmem>>)
          %dma_wait3A_171 = arith.constant 0 : i32
          %dma_wait3A_172 = arith.constant 0 : i32
          %dma_wait3A_173 = arith.constant 0 : i32
          %dma_wait3A_174 = tpu.memref_slice %arg9[%dma_wait3A_171, %dma_wait3A_172, %dma_wait3A_173] : memref<8x32x128xf32, #tpu.memory_space<vmem>> -> memref<1x32x128xf32, #tpu.memory_space<vmem>>
          %dma_wait3A_175 = tpu.memref_squeeze %dma_wait3A_174 : memref<1x32x128xf32, #tpu.memory_space<vmem>> -> memref<32x128xf32, #tpu.memory_space<vmem>>
          %dma_wait3A_176 = arith.constant 0 : i32
          %dma_wait3A_177 = arith.constant 0 : i32
          %dma_wait3A_178 = tpu.memref_slice %arg4[%dma_wait3A_176, %dma_wait3A_177] : memref<32x1000000xf32, #tpu.memory_space<hbm>> -> memref<32x128xf32, #tpu.memory_space<hbm>>
          %dma_wait3A_179 = arith.constant 0 : i32
          %dma_wait3A_180 = arith.constant 0 : i32
          %dma_wait3A_181 = tpu.memref_slice %arg9[%dma_wait3A_171, %dma_wait3A_179, %dma_wait3A_180] : memref<8x32x128xf32, #tpu.memory_space<vmem>> -> memref<1x32x128xf32, #tpu.memory_space<vmem>>
          %dma_wait3A_182 = tpu.memref_squeeze %dma_wait3A_181 : memref<1x32x128xf32, #tpu.memory_space<vmem>> -> memref<32x128xf32, #tpu.memory_space<vmem>>
          %dma_wait3A_183 = arith.constant 0 : i32
          %dma_wait3A_184 = arith.constant 0 : i32
          %dma_wait3A_185 = tpu.memref_slice %arg4[%dma_wait3A_183, %dma_wait3A_184] : memref<32x1000000xf32, #tpu.memory_space<hbm>> -> memref<32x128xf32, #tpu.memory_space<hbm>>
          tpu.wait_dma2 semaphore(%arg12 : memref<!tpu.dma_semaphore, #tpu.memory_space<semaphore_mem>>) src(%dma_wait3A_185 : memref<32x128xf32, #tpu.memory_space<hbm>>) dst(%dma_wait3A_182 : memref<32x128xf32, #tpu.memory_space<vmem>>)
        } else {
        }
        %sub3A_58 = arith.constant 1 : i32
        %sub3A_59 = arith.subi %scan3A_14, %sub3A_58 : i32
        %rem3A_60 = arith.constant 2 : i32
        %rem3A_61 = arith.remsi %sub3A_59, %rem3A_60 : i32
        %eq3A_62 = arith.constant 1 : i32
        %eq3A_63 = arith.cmpi eq, %rem3A_61, %eq3A_62 : i32
        %convert_element_type3A_64 = arith.extui %eq3A_63 : i1 to i32
        %cond3A_65 = arith.constant 0 : i32
        %cond3A_66 = arith.cmpi ne, %convert_element_type3A_64, %cond3A_65 : i32
        scf.if %cond3A_66 {
          %dma_wait3A = arith.constant 0 : i32
          %dma_wait3A_67 = arith.constant 0 : i32
          %dma_wait3A_68 = arith.constant 0 : i32
          %dma_wait3A_69 = tpu.memref_slice %arg9[%dma_wait3A, %dma_wait3A_67, %dma_wait3A_68] : memref<8x32x128xf32, #tpu.memory_space<vmem>> -> memref<1x32x128xf32, #tpu.memory_space<vmem>>
          %dma_wait3A_70 = tpu.memref_squeeze %dma_wait3A_69 : memref<1x32x128xf32, #tpu.memory_space<vmem>> -> memref<32x128xf32, #tpu.memory_space<vmem>>
          %dma_wait3A_71 = arith.constant 0 : i32
          %dma_wait3A_72 = arith.constant 0 : i32
          %dma_wait3A_73 = tpu.memref_slice %arg4[%dma_wait3A_71, %dma_wait3A_72] : memref<32x1000000xf32, #tpu.memory_space<hbm>> -> memref<32x128xf32, #tpu.memory_space<hbm>>
          %dma_wait3A_74 = arith.constant 0 : i32
          %dma_wait3A_75 = arith.constant 0 : i32
          %dma_wait3A_76 = tpu.memref_slice %arg9[%dma_wait3A, %dma_wait3A_74, %dma_wait3A_75] : memref<8x32x128xf32, #tpu.memory_space<vmem>> -> memref<1x32x128xf32, #tpu.memory_space<vmem>>
          %dma_wait3A_77 = tpu.memref_squeeze %dma_wait3A_76 : memref<1x32x128xf32, #tpu.memory_space<vmem>> -> memref<32x128xf32, #tpu.memory_space<vmem>>
          %dma_wait3A_78 = arith.constant 0 : i32
          %dma_wait3A_79 = arith.constant 0 : i32
          %dma_wait3A_80 = tpu.memref_slice %arg4[%dma_wait3A_78, %dma_wait3A_79] : memref<32x1000000xf32, #tpu.memory_space<hbm>> -> memref<32x128xf32, #tpu.memory_space<hbm>>
          tpu.wait_dma2 semaphore(%arg13 : memref<!tpu.dma_semaphore, #tpu.memory_space<semaphore_mem>>) src(%dma_wait3A_80 : memref<32x128xf32, #tpu.memory_space<hbm>>) dst(%dma_wait3A_77 : memref<32x128xf32, #tpu.memory_space<vmem>>)
          %dma_wait3A_81 = arith.constant 0 : i32
          %dma_wait3A_82 = arith.constant 0 : i32
          %dma_wait3A_83 = arith.constant 0 : i32
          %dma_wait3A_84 = tpu.memref_slice %arg9[%dma_wait3A_81, %dma_wait3A_82, %dma_wait3A_83] : memref<8x32x128xf32, #tpu.memory_space<vmem>> -> memref<1x32x128xf32, #tpu.memory_space<vmem>>
          %dma_wait3A_85 = tpu.memref_squeeze %dma_wait3A_84 : memref<1x32x128xf32, #tpu.memory_space<vmem>> -> memref<32x128xf32, #tpu.memory_space<vmem>>
          %dma_wait3A_86 = arith.constant 0 : i32
          %dma_wait3A_87 = arith.constant 0 : i32
          %dma_wait3A_88 = tpu.memref_slice %arg4[%dma_wait3A_86, %dma_wait3A_87] : memref<32x1000000xf32, #tpu.memory_space<hbm>> -> memref<32x128xf32, #tpu.memory_space<hbm>>
          %dma_wait3A_89 = arith.constant 0 : i32
          %dma_wait3A_90 = arith.constant 0 : i32
          %dma_wait3A_91 = tpu.memref_slice %arg9[%dma_wait3A_81, %dma_wait3A_89, %dma_wait3A_90] : memref<8x32x128xf32, #tpu.memory_space<vmem>> -> memref<1x32x128xf32, #tpu.memory_space<vmem>>
          %dma_wait3A_92 = tpu.memref_squeeze %dma_wait3A_91 : memref<1x32x128xf32, #tpu.memory_space<vmem>> -> memref<32x128xf32, #tpu.memory_space<vmem>>
          %dma_wait3A_93 = arith.constant 0 : i32
          %dma_wait3A_94 = arith.constant 0 : i32
          %dma_wait3A_95 = tpu.memref_slice %arg4[%dma_wait3A_93, %dma_wait3A_94] : memref<32x1000000xf32, #tpu.memory_space<hbm>> -> memref<32x128xf32, #tpu.memory_space<hbm>>
          tpu.wait_dma2 semaphore(%arg13 : memref<!tpu.dma_semaphore, #tpu.memory_space<semaphore_mem>>) src(%dma_wait3A_95 : memref<32x128xf32, #tpu.memory_space<hbm>>) dst(%dma_wait3A_92 : memref<32x128xf32, #tpu.memory_space<vmem>>)
          %dma_wait3A_96 = arith.constant 0 : i32
          %dma_wait3A_97 = arith.constant 0 : i32
          %dma_wait3A_98 = arith.constant 0 : i32
          %dma_wait3A_99 = tpu.memref_slice %arg9[%dma_wait3A_96, %dma_wait3A_97, %dma_wait3A_98] : memref<8x32x128xf32, #tpu.memory_space<vmem>> -> memref<1x32x128xf32, #tpu.memory_space<vmem>>
          %dma_wait3A_100 = tpu.memref_squeeze %dma_wait3A_99 : memref<1x32x128xf32, #tpu.memory_space<vmem>> -> memref<32x128xf32, #tpu.memory_space<vmem>>
          %dma_wait3A_101 = arith.constant 0 : i32
          %dma_wait3A_102 = arith.constant 0 : i32
          %dma_wait3A_103 = tpu.memref_slice %arg4[%dma_wait3A_101, %dma_wait3A_102] : memref<32x1000000xf32, #tpu.memory_space<hbm>> -> memref<32x128xf32, #tpu.memory_space<hbm>>
          %dma_wait3A_104 = arith.constant 0 : i32
          %dma_wait3A_105 = arith.constant 0 : i32
          %dma_wait3A_106 = tpu.memref_slice %arg9[%dma_wait3A_96, %dma_wait3A_104, %dma_wait3A_105] : memref<8x32x128xf32, #tpu.memory_space<vmem>> -> memref<1x32x128xf32, #tpu.memory_space<vmem>>
          %dma_wait3A_107 = tpu.memref_squeeze %dma_wait3A_106 : memref<1x32x128xf32, #tpu.memory_space<vmem>> -> memref<32x128xf32, #tpu.memory_space<vmem>>
          %dma_wait3A_108 = arith.constant 0 : i32
          %dma_wait3A_109 = arith.constant 0 : i32
          %dma_wait3A_110 = tpu.memref_slice %arg4[%dma_wait3A_108, %dma_wait3A_109] : memref<32x1000000xf32, #tpu.memory_space<hbm>> -> memref<32x128xf32, #tpu.memory_space<hbm>>
          tpu.wait_dma2 semaphore(%arg13 : memref<!tpu.dma_semaphore, #tpu.memory_space<semaphore_mem>>) src(%dma_wait3A_110 : memref<32x128xf32, #tpu.memory_space<hbm>>) dst(%dma_wait3A_107 : memref<32x128xf32, #tpu.memory_space<vmem>>)
          %dma_wait3A_111 = arith.constant 0 : i32
          %dma_wait3A_112 = arith.constant 0 : i32
          %dma_wait3A_113 = arith.constant 0 : i32
          %dma_wait3A_114 = tpu.memref_slice %arg9[%dma_wait3A_111, %dma_wait3A_112, %dma_wait3A_113] : memref<8x32x128xf32, #tpu.memory_space<vmem>> -> memref<1x32x128xf32, #tpu.memory_space<vmem>>
          %dma_wait3A_115 = tpu.memref_squeeze %dma_wait3A_114 : memref<1x32x128xf32, #tpu.memory_space<vmem>> -> memref<32x128xf32, #tpu.memory_space<vmem>>
          %dma_wait3A_116 = arith.constant 0 : i32
          %dma_wait3A_117 = arith.constant 0 : i32
          %dma_wait3A_118 = tpu.memref_slice %arg4[%dma_wait3A_116, %dma_wait3A_117] : memref<32x1000000xf32, #tpu.memory_space<hbm>> -> memref<32x128xf32, #tpu.memory_space<hbm>>
          %dma_wait3A_119 = arith.constant 0 : i32
          %dma_wait3A_120 = arith.constant 0 : i32
          %dma_wait3A_121 = tpu.memref_slice %arg9[%dma_wait3A_111, %dma_wait3A_119, %dma_wait3A_120] : memref<8x32x128xf32, #tpu.memory_space<vmem>> -> memref<1x32x128xf32, #tpu.memory_space<vmem>>
          %dma_wait3A_122 = tpu.memref_squeeze %dma_wait3A_121 : memref<1x32x128xf32, #tpu.memory_space<vmem>> -> memref<32x128xf32, #tpu.memory_space<vmem>>
          %dma_wait3A_123 = arith.constant 0 : i32
          %dma_wait3A_124 = arith.constant 0 : i32
          %dma_wait3A_125 = tpu.memref_slice %arg4[%dma_wait3A_123, %dma_wait3A_124] : memref<32x1000000xf32, #tpu.memory_space<hbm>> -> memref<32x128xf32, #tpu.memory_space<hbm>>
          tpu.wait_dma2 semaphore(%arg13 : memref<!tpu.dma_semaphore, #tpu.memory_space<semaphore_mem>>) src(%dma_wait3A_125 : memref<32x128xf32, #tpu.memory_space<hbm>>) dst(%dma_wait3A_122 : memref<32x128xf32, #tpu.memory_space<vmem>>)
          %dma_wait3A_126 = arith.constant 0 : i32
          %dma_wait3A_127 = arith.constant 0 : i32
          %dma_wait3A_128 = arith.constant 0 : i32
          %dma_wait3A_129 = tpu.memref_slice %arg9[%dma_wait3A_126, %dma_wait3A_127, %dma_wait3A_128] : memref<8x32x128xf32, #tpu.memory_space<vmem>> -> memref<1x32x128xf32, #tpu.memory_space<vmem>>
          %dma_wait3A_130 = tpu.memref_squeeze %dma_wait3A_129 : memref<1x32x128xf32, #tpu.memory_space<vmem>> -> memref<32x128xf32, #tpu.memory_space<vmem>>
          %dma_wait3A_131 = arith.constant 0 : i32
          %dma_wait3A_132 = arith.constant 0 : i32
          %dma_wait3A_133 = tpu.memref_slice %arg4[%dma_wait3A_131, %dma_wait3A_132] : memref<32x1000000xf32, #tpu.memory_space<hbm>> -> memref<32x128xf32, #tpu.memory_space<hbm>>
          %dma_wait3A_134 = arith.constant 0 : i32
          %dma_wait3A_135 = arith.constant 0 : i32
          %dma_wait3A_136 = tpu.memref_slice %arg9[%dma_wait3A_126, %dma_wait3A_134, %dma_wait3A_135] : memref<8x32x128xf32, #tpu.memory_space<vmem>> -> memref<1x32x128xf32, #tpu.memory_space<vmem>>
          %dma_wait3A_137 = tpu.memref_squeeze %dma_wait3A_136 : memref<1x32x128xf32, #tpu.memory_space<vmem>> -> memref<32x128xf32, #tpu.memory_space<vmem>>
          %dma_wait3A_138 = arith.constant 0 : i32
          %dma_wait3A_139 = arith.constant 0 : i32
          %dma_wait3A_140 = tpu.memref_slice %arg4[%dma_wait3A_138, %dma_wait3A_139] : memref<32x1000000xf32, #tpu.memory_space<hbm>> -> memref<32x128xf32, #tpu.memory_space<hbm>>
          tpu.wait_dma2 semaphore(%arg13 : memref<!tpu.dma_semaphore, #tpu.memory_space<semaphore_mem>>) src(%dma_wait3A_140 : memref<32x128xf32, #tpu.memory_space<hbm>>) dst(%dma_wait3A_137 : memref<32x128xf32, #tpu.memory_space<vmem>>)
          %dma_wait3A_141 = arith.constant 0 : i32
          %dma_wait3A_142 = arith.constant 0 : i32
          %dma_wait3A_143 = arith.constant 0 : i32
          %dma_wait3A_144 = tpu.memref_slice %arg9[%dma_wait3A_141, %dma_wait3A_142, %dma_wait3A_143] : memref<8x32x128xf32, #tpu.memory_space<vmem>> -> memref<1x32x128xf32, #tpu.memory_space<vmem>>
          %dma_wait3A_145 = tpu.memref_squeeze %dma_wait3A_144 : memref<1x32x128xf32, #tpu.memory_space<vmem>> -> memref<32x128xf32, #tpu.memory_space<vmem>>
          %dma_wait3A_146 = arith.constant 0 : i32
          %dma_wait3A_147 = arith.constant 0 : i32
          %dma_wait3A_148 = tpu.memref_slice %arg4[%dma_wait3A_146, %dma_wait3A_147] : memref<32x1000000xf32, #tpu.memory_space<hbm>> -> memref<32x128xf32, #tpu.memory_space<hbm>>
          %dma_wait3A_149 = arith.constant 0 : i32
          %dma_wait3A_150 = arith.constant 0 : i32
          %dma_wait3A_151 = tpu.memref_slice %arg9[%dma_wait3A_141, %dma_wait3A_149, %dma_wait3A_150] : memref<8x32x128xf32, #tpu.memory_space<vmem>> -> memref<1x32x128xf32, #tpu.memory_space<vmem>>
          %dma_wait3A_152 = tpu.memref_squeeze %dma_wait3A_151 : memref<1x32x128xf32, #tpu.memory_space<vmem>> -> memref<32x128xf32, #tpu.memory_space<vmem>>
          %dma_wait3A_153 = arith.constant 0 : i32
          %dma_wait3A_154 = arith.constant 0 : i32
          %dma_wait3A_155 = tpu.memref_slice %arg4[%dma_wait3A_153, %dma_wait3A_154] : memref<32x1000000xf32, #tpu.memory_space<hbm>> -> memref<32x128xf32, #tpu.memory_space<hbm>>
          tpu.wait_dma2 semaphore(%arg13 : memref<!tpu.dma_semaphore, #tpu.memory_space<semaphore_mem>>) src(%dma_wait3A_155 : memref<32x128xf32, #tpu.memory_space<hbm>>) dst(%dma_wait3A_152 : memref<32x128xf32, #tpu.memory_space<vmem>>)
          %dma_wait3A_156 = arith.constant 0 : i32
          %dma_wait3A_157 = arith.constant 0 : i32
          %dma_wait3A_158 = arith.constant 0 : i32
          %dma_wait3A_159 = tpu.memref_slice %arg9[%dma_wait3A_156, %dma_wait3A_157, %dma_wait3A_158] : memref<8x32x128xf32, #tpu.memory_space<vmem>> -> memref<1x32x128xf32, #tpu.memory_space<vmem>>
          %dma_wait3A_160 = tpu.memref_squeeze %dma_wait3A_159 : memref<1x32x128xf32, #tpu.memory_space<vmem>> -> memref<32x128xf32, #tpu.memory_space<vmem>>
          %dma_wait3A_161 = arith.constant 0 : i32
          %dma_wait3A_162 = arith.constant 0 : i32
          %dma_wait3A_163 = tpu.memref_slice %arg4[%dma_wait3A_161, %dma_wait3A_162] : memref<32x1000000xf32, #tpu.memory_space<hbm>> -> memref<32x128xf32, #tpu.memory_space<hbm>>
          %dma_wait3A_164 = arith.constant 0 : i32
          %dma_wait3A_165 = arith.constant 0 : i32
          %dma_wait3A_166 = tpu.memref_slice %arg9[%dma_wait3A_156, %dma_wait3A_164, %dma_wait3A_165] : memref<8x32x128xf32, #tpu.memory_space<vmem>> -> memref<1x32x128xf32, #tpu.memory_space<vmem>>
          %dma_wait3A_167 = tpu.memref_squeeze %dma_wait3A_166 : memref<1x32x128xf32, #tpu.memory_space<vmem>> -> memref<32x128xf32, #tpu.memory_space<vmem>>
          %dma_wait3A_168 = arith.constant 0 : i32
          %dma_wait3A_169 = arith.constant 0 : i32
          %dma_wait3A_170 = tpu.memref_slice %arg4[%dma_wait3A_168, %dma_wait3A_169] : memref<32x1000000xf32, #tpu.memory_space<hbm>> -> memref<32x128xf32, #tpu.memory_space<hbm>>
          tpu.wait_dma2 semaphore(%arg13 : memref<!tpu.dma_semaphore, #tpu.memory_space<semaphore_mem>>) src(%dma_wait3A_170 : memref<32x128xf32, #tpu.memory_space<hbm>>) dst(%dma_wait3A_167 : memref<32x128xf32, #tpu.memory_space<vmem>>)
          %dma_wait3A_171 = arith.constant 0 : i32
          %dma_wait3A_172 = arith.constant 0 : i32
          %dma_wait3A_173 = arith.constant 0 : i32
          %dma_wait3A_174 = tpu.memref_slice %arg9[%dma_wait3A_171, %dma_wait3A_172, %dma_wait3A_173] : memref<8x32x128xf32, #tpu.memory_space<vmem>> -> memref<1x32x128xf32, #tpu.memory_space<vmem>>
          %dma_wait3A_175 = tpu.memref_squeeze %dma_wait3A_174 : memref<1x32x128xf32, #tpu.memory_space<vmem>> -> memref<32x128xf32, #tpu.memory_space<vmem>>
          %dma_wait3A_176 = arith.constant 0 : i32
          %dma_wait3A_177 = arith.constant 0 : i32
          %dma_wait3A_178 = tpu.memref_slice %arg4[%dma_wait3A_176, %dma_wait3A_177] : memref<32x1000000xf32, #tpu.memory_space<hbm>> -> memref<32x128xf32, #tpu.memory_space<hbm>>
          %dma_wait3A_179 = arith.constant 0 : i32
          %dma_wait3A_180 = arith.constant 0 : i32
          %dma_wait3A_181 = tpu.memref_slice %arg9[%dma_wait3A_171, %dma_wait3A_179, %dma_wait3A_180] : memref<8x32x128xf32, #tpu.memory_space<vmem>> -> memref<1x32x128xf32, #tpu.memory_space<vmem>>
          %dma_wait3A_182 = tpu.memref_squeeze %dma_wait3A_181 : memref<1x32x128xf32, #tpu.memory_space<vmem>> -> memref<32x128xf32, #tpu.memory_space<vmem>>
          %dma_wait3A_183 = arith.constant 0 : i32
          %dma_wait3A_184 = arith.constant 0 : i32
          %dma_wait3A_185 = tpu.memref_slice %arg4[%dma_wait3A_183, %dma_wait3A_184] : memref<32x1000000xf32, #tpu.memory_space<hbm>> -> memref<32x128xf32, #tpu.memory_space<hbm>>
          tpu.wait_dma2 semaphore(%arg13 : memref<!tpu.dma_semaphore, #tpu.memory_space<semaphore_mem>>) src(%dma_wait3A_185 : memref<32x128xf32, #tpu.memory_space<hbm>>) dst(%dma_wait3A_182 : memref<32x128xf32, #tpu.memory_space<vmem>>)
        } else {
        }
      } else {
      }
      %ge3A_34 = arith.constant 1 : i32
      %ge3A_35 = arith.cmpi sge, %scan3A_14, %ge3A_34 : i32
      %convert_element_type3A_36 = arith.extui %ge3A_35 : i1 to i32
      %cond3A_37 = arith.constant 0 : i32
      %cond3A_38 = arith.cmpi ne, %convert_element_type3A_36, %cond3A_37 : i32
      %cond3A_39 = scf.if %cond3A_38 -> (vector<16xf32>) {
        %sub3A = arith.constant 1 : i32
        %sub3A_50 = arith.subi %scan3A_14, %sub3A : i32
        %div3A = arith.constant 4 : i32
        %div3A_51 = arith.divsi %sub3A_50, %div3A : i32
        %mul3A_52 = arith.constant 16 : i32
        %mul3A_53 = arith.muli %div3A_51, %mul3A_52 : i32
        %get3A = arith.index_cast %mul3A_53 : i32 to index
        %get3A_54 = tpu.vector_load %arg7[%get3A] {strides = array<i32>} : memref<512xi32, #tpu.memory_space<vmem>>, vector<16xi32>,
        %div3A_55 = arith.constant 4 : i32
        %div3A_56 = arith.divsi %sub3A_50, %div3A_55 : i32
        %mul3A_57 = arith.constant 16 : i32
        %mul3A_58 = arith.muli %div3A_56, %mul3A_57 : i32
        %get3A_59 = arith.index_cast %mul3A_58 : i32 to index
        %get3A_60 = tpu.vector_load %arg8[%get3A_59] {strides = array<i32>} : memref<512xi32, #tpu.memory_space<vmem>>, vector<16xi32>,
        %rem3A_61 = arith.constant 4 : i32
        %rem3A_62 = arith.remsi %sub3A_50, %rem3A_61 : i32
        %mul3A_63 = arith.constant 4 : i32
        %mul3A_64 = arith.muli %rem3A_62, %mul3A_63 : i32
        %add3A_65 = arith.constant 0 : i32
        %add3A_66 = arith.addi %mul3A_64, %add3A_65 : i32
        %broadcast_in_dim3A_67 = vector.broadcast %add3A_66 : i32 to vector<16xi32>
        %eq3A_68 = arith.cmpi eq, %iota3A, %broadcast_in_dim3A_67 : vector<16xi32>
        %select_n3A = arith.select %eq3A_68, %get3A_54, %broadcast_in_dim3A_6 : vector<16xi1>, vector<16xi32>
        %reduce_sum3A = arith.constant true
        %reduce_sum3A_69 = vector.broadcast %reduce_sum3A : i1 to vector<16xi1>
        %reduce_sum3A_70 = tpu.scan <sum>, %select_n3A masked %reduce_sum3A_69 : vector<16xi32>, vector<16xi1> -> vector<16xi32>
        %reduce_sum3A_71 = vector.extract %reduce_sum3A_70[15] : i32 from vector<16xi32>
        %eq3A_72 = arith.cmpi eq, %iota3A, %broadcast_in_dim3A_67 : vector<16xi32>
        %select_n3A_73 = arith.select %eq3A_72, %get3A_60, %broadcast_in_dim3A_6 : vector<16xi1>, vector<16xi32>
        %reduce_sum3A_74 = arith.constant true
        %reduce_sum3A_75 = vector.broadcast %reduce_sum3A_74 : i1 to vector<16xi1>
        %reduce_sum3A_76 = tpu.scan <sum>, %select_n3A_73 masked %reduce_sum3A_75 : vector<16xi32>, vector<16xi1> -> vector<16xi32>
        %reduce_sum3A_77 = vector.extract %reduce_sum3A_76[15] : i32 from vector<16xi32>
        %and3A_78 = arith.constant 127 : i32
        %and3A_79 = arith.andi %reduce_sum3A_71, %and3A_78 : i32
        %broadcast_in_dim3A_80 = vector.broadcast %and3A_79 : i32 to vector<16xi32>
        %and3A_81 = arith.constant 127 : i32
        %and3A_82 = arith.andi %reduce_sum3A_77, %and3A_81 : i32
        %broadcast_in_dim3A_83 = vector.broadcast %and3A_82 : i32 to vector<16xi32>
        %sub3A_84 = arith.constant 1 : i32
        %sub3A_85 = arith.subi %scan3A_14, %sub3A_84 : i32
        %rem3A_86 = arith.constant 2 : i32
        %rem3A_87 = arith.remsi %sub3A_85, %rem3A_86 : i32
        %mul3A_88 = arith.constant 4 : i32
        %mul3A_89 = arith.muli %rem3A_87, %mul3A_88 : i32
        %add3A_90 = arith.constant 0 : i32
        %add3A_91 = arith.addi %mul3A_89, %add3A_90 : i32
        %broadcast_in_dim3A_92 = vector.broadcast %add3A_91 : i32 to vector<16xi32>
        %gather3A = tpu.vector_load_idx %arg9[%broadcast_in_dim3A_92, %iota3A, %broadcast_in_dim3A_80] : memref<8x32x128xf32, #tpu.memory_space<vmem>>[vector<16xi32>, vector<16xi32>, vector<16xi32>], vector<16xf32>,
        %gather3A_93 = tpu.vector_load_idx %arg9[%broadcast_in_dim3A_92, %add3A_4, %broadcast_in_dim3A_80] : memref<8x32x128xf32, #tpu.memory_space<vmem>>[vector<16xi32>, vector<16xi32>, vector<16xi32>], vector<16xf32>,
        %gather3A_94 = tpu.vector_load_idx %arg10[%broadcast_in_dim3A_92, %iota3A, %broadcast_in_dim3A_83] : memref<8x32x128xf32, #tpu.memory_space<vmem>>[vector<16xi32>, vector<16xi32>, vector<16xi32>], vector<16xf32>,
        %gather3A_95 = tpu.vector_load_idx %arg10[%broadcast_in_dim3A_92, %add3A_4, %broadcast_in_dim3A_83] : memref<8x32x128xf32, #tpu.memory_space<vmem>>[vector<16xi32>, vector<16xi32>, vector<16xi32>], vector<16xf32>,
        %mul3A_96 = arith.mulf %gather3A, %gather3A_94 : vector<16xf32>
        %mul3A_97 = arith.mulf %gather3A_93, %gather3A_95 : vector<16xf32>
        %add3A_98 = arith.addf %mul3A_96, %mul3A_97 : vector<16xf32>
        %reduce_sum3A_99 = arith.constant true
        %reduce_sum3A_100 = vector.broadcast %reduce_sum3A_99 : i1 to vector<16xi1>
        %reduce_sum3A_101 = tpu.scan <sum>, %add3A_98 masked %reduce_sum3A_100 : vector<16xf32>, vector<16xi1> -> vector<16xf32>
        %reduce_sum3A_102 = vector.extract %reduce_sum3A_101[15] : f32 from vector<16xf32>
        %eq3A_103 = arith.cmpi eq, %iota3A, %broadcast_in_dim3A_67 : vector<16xi32>
        %broadcast_in_dim3A_104 = vector.broadcast %reduce_sum3A_102 : f32 to vector<16xf32>
        %select_n3A_105 = arith.select %eq3A_103, %broadcast_in_dim3A_104, %scan3A_15 : vector<16xi1>, vector<16xf32>
        %add3A_106 = arith.constant 1 : i32
        %add3A_107 = arith.addi %mul3A_64, %add3A_106 : i32
        %broadcast_in_dim3A_108 = vector.broadcast %add3A_107 : i32 to vector<16xi32>
        %eq3A_109 = arith.cmpi eq, %iota3A, %broadcast_in_dim3A_108 : vector<16xi32>
        %select_n3A_110 = arith.select %eq3A_109, %get3A_54, %broadcast_in_dim3A_6 : vector<16xi1>, vector<16xi32>
        %reduce_sum3A_111 = arith.constant true
        %reduce_sum3A_112 = vector.broadcast %reduce_sum3A_111 : i1 to vector<16xi1>
        %reduce_sum3A_113 = tpu.scan <sum>, %select_n3A_110 masked %reduce_sum3A_112 : vector<16xi32>, vector<16xi1> -> vector<16xi32>
        %reduce_sum3A_114 = vector.extract %reduce_sum3A_113[15] : i32 from vector<16xi32>
        %eq3A_115 = arith.cmpi eq, %iota3A, %broadcast_in_dim3A_108 : vector<16xi32>
        %select_n3A_116 = arith.select %eq3A_115, %get3A_60, %broadcast_in_dim3A_6 : vector<16xi1>, vector<16xi32>
        %reduce_sum3A_117 = arith.constant true
        %reduce_sum3A_118 = vector.broadcast %reduce_sum3A_117 : i1 to vector<16xi1>
        %reduce_sum3A_119 = tpu.scan <sum>, %select_n3A_116 masked %reduce_sum3A_118 : vector<16xi32>, vector<16xi1> -> vector<16xi32>
        %reduce_sum3A_120 = vector.extract %reduce_sum3A_119[15] : i32 from vector<16xi32>
        %and3A_121 = arith.constant 127 : i32
        %and3A_122 = arith.andi %reduce_sum3A_114, %and3A_121 : i32
        %broadcast_in_dim3A_123 = vector.broadcast %and3A_122 : i32 to vector<16xi32>
        %and3A_124 = arith.constant 127 : i32
        %and3A_125 = arith.andi %reduce_sum3A_120, %and3A_124 : i32
        %broadcast_in_dim3A_126 = vector.broadcast %and3A_125 : i32 to vector<16xi32>
        %sub3A_127 = arith.constant 1 : i32
        %sub3A_128 = arith.subi %scan3A_14, %sub3A_127 : i32
        %rem3A_129 = arith.constant 2 : i32
        %rem3A_130 = arith.remsi %sub3A_128, %rem3A_129 : i32
        %mul3A_131 = arith.constant 4 : i32
        %mul3A_132 = arith.muli %rem3A_130, %mul3A_131 : i32
        %add3A_133 = arith.constant 1 : i32
        %add3A_134 = arith.addi %mul3A_132, %add3A_133 : i32
        %broadcast_in_dim3A_135 = vector.broadcast %add3A_134 : i32 to vector<16xi32>
        %gather3A_136 = tpu.vector_load_idx %arg9[%broadcast_in_dim3A_135, %iota3A, %broadcast_in_dim3A_123] : memref<8x32x128xf32, #tpu.memory_space<vmem>>[vector<16xi32>, vector<16xi32>, vector<16xi32>], vector<16xf32>,
        %gather3A_137 = tpu.vector_load_idx %arg9[%broadcast_in_dim3A_135, %add3A_4, %broadcast_in_dim3A_123] : memref<8x32x128xf32, #tpu.memory_space<vmem>>[vector<16xi32>, vector<16xi32>, vector<16xi32>], vector<16xf32>,
        %gather3A_138 = tpu.vector_load_idx %arg10[%broadcast_in_dim3A_135, %iota3A, %broadcast_in_dim3A_126] : memref<8x32x128xf32, #tpu.memory_space<vmem>>[vector<16xi32>, vector<16xi32>, vector<16xi32>], vector<16xf32>,
        %gather3A_139 = tpu.vector_load_idx %arg10[%broadcast_in_dim3A_135, %add3A_4, %broadcast_in_dim3A_126] : memref<8x32x128xf32, #tpu.memory_space<vmem>>[vector<16xi32>, vector<16xi32>, vector<16xi32>], vector<16xf32>,
        %mul3A_140 = arith.mulf %gather3A_136, %gather3A_138 : vector<16xf32>
        %mul3A_141 = arith.mulf %gather3A_137, %gather3A_139 : vector<16xf32>
        %add3A_142 = arith.addf %mul3A_140, %mul3A_141 : vector<16xf32>
        %reduce_sum3A_143 = arith.constant true
        %reduce_sum3A_144 = vector.broadcast %reduce_sum3A_143 : i1 to vector<16xi1>
        %reduce_sum3A_145 = tpu.scan <sum>, %add3A_142 masked %reduce_sum3A_144 : vector<16xf32>, vector<16xi1> -> vector<16xf32>
        %reduce_sum3A_146 = vector.extract %reduce_sum3A_145[15] : f32 from vector<16xf32>
        %eq3A_147 = arith.cmpi eq, %iota3A, %broadcast_in_dim3A_108 : vector<16xi32>
        %broadcast_in_dim3A_148 = vector.broadcast %reduce_sum3A_146 : f32 to vector<16xf32>
        %select_n3A_149 = arith.select %eq3A_147, %broadcast_in_dim3A_148, %select_n3A_105 : vector<16xi1>, vector<16xf32>
        %add3A_150 = arith.constant 2 : i32
        %add3A_151 = arith.addi %mul3A_64, %add3A_150 : i32
        %broadcast_in_dim3A_152 = vector.broadcast %add3A_151 : i32 to vector<16xi32>
        %eq3A_153 = arith.cmpi eq, %iota3A, %broadcast_in_dim3A_152 : vector<16xi32>
        %select_n3A_154 = arith.select %eq3A_153, %get3A_54, %broadcast_in_dim3A_6 : vector<16xi1>, vector<16xi32>
        %reduce_sum3A_155 = arith.constant true
        %reduce_sum3A_156 = vector.broadcast %reduce_sum3A_155 : i1 to vector<16xi1>
        %reduce_sum3A_157 = tpu.scan <sum>, %select_n3A_154 masked %reduce_sum3A_156 : vector<16xi32>, vector<16xi1> -> vector<16xi32>
        %reduce_sum3A_158 = vector.extract %reduce_sum3A_157[15] : i32 from vector<16xi32>
        %eq3A_159 = arith.cmpi eq, %iota3A, %broadcast_in_dim3A_152 : vector<16xi32>
        %select_n3A_160 = arith.select %eq3A_159, %get3A_60, %broadcast_in_dim3A_6 : vector<16xi1>, vector<16xi32>
        %reduce_sum3A_161 = arith.constant true
        %reduce_sum3A_162 = vector.broadcast %reduce_sum3A_161 : i1 to vector<16xi1>
        %reduce_sum3A_163 = tpu.scan <sum>, %select_n3A_160 masked %reduce_sum3A_162 : vector<16xi32>, vector<16xi1> -> vector<16xi32>
        %reduce_sum3A_164 = vector.extract %reduce_sum3A_163[15] : i32 from vector<16xi32>
        %and3A_165 = arith.constant 127 : i32
        %and3A_166 = arith.andi %reduce_sum3A_158, %and3A_165 : i32
        %broadcast_in_dim3A_167 = vector.broadcast %and3A_166 : i32 to vector<16xi32>
        %and3A_168 = arith.constant 127 : i32
        %and3A_169 = arith.andi %reduce_sum3A_164, %and3A_168 : i32
        %broadcast_in_dim3A_170 = vector.broadcast %and3A_169 : i32 to vector<16xi32>
        %sub3A_171 = arith.constant 1 : i32
        %sub3A_172 = arith.subi %scan3A_14, %sub3A_171 : i32
        %rem3A_173 = arith.constant 2 : i32
        %rem3A_174 = arith.remsi %sub3A_172, %rem3A_173 : i32
        %mul3A_175 = arith.constant 4 : i32
        %mul3A_176 = arith.muli %rem3A_174, %mul3A_175 : i32
        %add3A_177 = arith.constant 2 : i32
        %add3A_178 = arith.addi %mul3A_176, %add3A_177 : i32
        %broadcast_in_dim3A_179 = vector.broadcast %add3A_178 : i32 to vector<16xi32>
        %gather3A_180 = tpu.vector_load_idx %arg9[%broadcast_in_dim3A_179, %iota3A, %broadcast_in_dim3A_167] : memref<8x32x128xf32, #tpu.memory_space<vmem>>[vector<16xi32>, vector<16xi32>, vector<16xi32>], vector<16xf32>,
        %gather3A_181 = tpu.vector_load_idx %arg9[%broadcast_in_dim3A_179, %add3A_4, %broadcast_in_dim3A_167] : memref<8x32x128xf32, #tpu.memory_space<vmem>>[vector<16xi32>, vector<16xi32>, vector<16xi32>], vector<16xf32>,
        %gather3A_182 = tpu.vector_load_idx %arg10[%broadcast_in_dim3A_179, %iota3A, %broadcast_in_dim3A_170] : memref<8x32x128xf32, #tpu.memory_space<vmem>>[vector<16xi32>, vector<16xi32>, vector<16xi32>], vector<16xf32>,
        %gather3A_183 = tpu.vector_load_idx %arg10[%broadcast_in_dim3A_179, %add3A_4, %broadcast_in_dim3A_170] : memref<8x32x128xf32, #tpu.memory_space<vmem>>[vector<16xi32>, vector<16xi32>, vector<16xi32>], vector<16xf32>,
        %mul3A_184 = arith.mulf %gather3A_180, %gather3A_182 : vector<16xf32>
        %mul3A_185 = arith.mulf %gather3A_181, %gather3A_183 : vector<16xf32>
        %add3A_186 = arith.addf %mul3A_184, %mul3A_185 : vector<16xf32>
        %reduce_sum3A_187 = arith.constant true
        %reduce_sum3A_188 = vector.broadcast %reduce_sum3A_187 : i1 to vector<16xi1>
        %reduce_sum3A_189 = tpu.scan <sum>, %add3A_186 masked %reduce_sum3A_188 : vector<16xf32>, vector<16xi1> -> vector<16xf32>
        %reduce_sum3A_190 = vector.extract %reduce_sum3A_189[15] : f32 from vector<16xf32>
        %eq3A_191 = arith.cmpi eq, %iota3A, %broadcast_in_dim3A_152 : vector<16xi32>
        %broadcast_in_dim3A_192 = vector.broadcast %reduce_sum3A_190 : f32 to vector<16xf32>
        %select_n3A_193 = arith.select %eq3A_191, %broadcast_in_dim3A_192, %select_n3A_149 : vector<16xi1>, vector<16xf32>
        %add3A_194 = arith.constant 3 : i32
        %add3A_195 = arith.addi %mul3A_64, %add3A_194 : i32
        %broadcast_in_dim3A_196 = vector.broadcast %add3A_195 : i32 to vector<16xi32>
        %eq3A_197 = arith.cmpi eq, %iota3A, %broadcast_in_dim3A_196 : vector<16xi32>
        %select_n3A_198 = arith.select %eq3A_197, %get3A_54, %broadcast_in_dim3A_6 : vector<16xi1>, vector<16xi32>
        %reduce_sum3A_199 = arith.constant true
        %reduce_sum3A_200 = vector.broadcast %reduce_sum3A_199 : i1 to vector<16xi1>
        %reduce_sum3A_201 = tpu.scan <sum>, %select_n3A_198 masked %reduce_sum3A_200 : vector<16xi32>, vector<16xi1> -> vector<16xi32>
        %reduce_sum3A_202 = vector.extract %reduce_sum3A_201[15] : i32 from vector<16xi32>
        %eq3A_203 = arith.cmpi eq, %iota3A, %broadcast_in_dim3A_196 : vector<16xi32>
        %select_n3A_204 = arith.select %eq3A_203, %get3A_60, %broadcast_in_dim3A_6 : vector<16xi1>, vector<16xi32>
        %reduce_sum3A_205 = arith.constant true
        %reduce_sum3A_206 = vector.broadcast %reduce_sum3A_205 : i1 to vector<16xi1>
        %reduce_sum3A_207 = tpu.scan <sum>, %select_n3A_204 masked %reduce_sum3A_206 : vector<16xi32>, vector<16xi1> -> vector<16xi32>
        %reduce_sum3A_208 = vector.extract %reduce_sum3A_207[15] : i32 from vector<16xi32>
        %and3A_209 = arith.constant 127 : i32
        %and3A_210 = arith.andi %reduce_sum3A_202, %and3A_209 : i32
        %broadcast_in_dim3A_211 = vector.broadcast %and3A_210 : i32 to vector<16xi32>
        %and3A_212 = arith.constant 127 : i32
        %and3A_213 = arith.andi %reduce_sum3A_208, %and3A_212 : i32
        %broadcast_in_dim3A_214 = vector.broadcast %and3A_213 : i32 to vector<16xi32>
        %sub3A_215 = arith.constant 1 : i32
        %sub3A_216 = arith.subi %scan3A_14, %sub3A_215 : i32
        %rem3A_217 = arith.constant 2 : i32
        %rem3A_218 = arith.remsi %sub3A_216, %rem3A_217 : i32
        %mul3A_219 = arith.constant 4 : i32
        %mul3A_220 = arith.muli %rem3A_218, %mul3A_219 : i32
        %add3A_221 = arith.constant 3 : i32
        %add3A_222 = arith.addi %mul3A_220, %add3A_221 : i32
        %broadcast_in_dim3A_223 = vector.broadcast %add3A_222 : i32 to vector<16xi32>
        %gather3A_224 = tpu.vector_load_idx %arg9[%broadcast_in_dim3A_223, %iota3A, %broadcast_in_dim3A_211] : memref<8x32x128xf32, #tpu.memory_space<vmem>>[vector<16xi32>, vector<16xi32>, vector<16xi32>], vector<16xf32>,
        %gather3A_225 = tpu.vector_load_idx %arg9[%broadcast_in_dim3A_223, %add3A_4, %broadcast_in_dim3A_211] : memref<8x32x128xf32, #tpu.memory_space<vmem>>[vector<16xi32>, vector<16xi32>, vector<16xi32>], vector<16xf32>,
        %gather3A_226 = tpu.vector_load_idx %arg10[%broadcast_in_dim3A_223, %iota3A, %broadcast_in_dim3A_214] : memref<8x32x128xf32, #tpu.memory_space<vmem>>[vector<16xi32>, vector<16xi32>, vector<16xi32>], vector<16xf32>,
        %gather3A_227 = tpu.vector_load_idx %arg10[%broadcast_in_dim3A_223, %add3A_4, %broadcast_in_dim3A_214] : memref<8x32x128xf32, #tpu.memory_space<vmem>>[vector<16xi32>, vector<16xi32>, vector<16xi32>], vector<16xf32>,
        %mul3A_228 = arith.mulf %gather3A_224, %gather3A_226 : vector<16xf32>
        %mul3A_229 = arith.mulf %gather3A_225, %gather3A_227 : vector<16xf32>
        %add3A_230 = arith.addf %mul3A_228, %mul3A_229 : vector<16xf32>
        %reduce_sum3A_231 = arith.constant true
        %reduce_sum3A_232 = vector.broadcast %reduce_sum3A_231 : i1 to vector<16xi1>
        %reduce_sum3A_233 = tpu.scan <sum>, %add3A_230 masked %reduce_sum3A_232 : vector<16xf32>, vector<16xi1> -> vector<16xf32>
        %reduce_sum3A_234 = vector.extract %reduce_sum3A_233[15] : f32 from vector<16xf32>
        %eq3A_235 = arith.cmpi eq, %iota3A, %broadcast_in_dim3A_196 : vector<16xi32>
        %broadcast_in_dim3A_236 = vector.broadcast %reduce_sum3A_234 : f32 to vector<16xf32>
        %select_n3A_237 = arith.select %eq3A_235, %broadcast_in_dim3A_236, %select_n3A_193 : vector<16xi1>, vector<16xf32>
        scf.yield %select_n3A_237 : vector<16xf32>
      } else {
        scf.yield %scan3A_15 : vector<16xf32>
      }
      %ge3A_40 = arith.constant 1 : i32
      %ge3A_41 = arith.cmpi sge, %scan3A_14, %ge3A_40 : i32
      %rem3A_42 = arith.constant 4 : i32
      %rem3A_43 = arith.remsi %scan3A_14, %rem3A_42 : i32
      %eq3A_44 = arith.constant 0 : i32
      %eq3A_45 = arith.cmpi eq, %rem3A_43, %eq3A_44 : i32
      %and3A_46 = arith.andi %ge3A_41, %eq3A_45 : i1
      %convert_element_type3A_47 = arith.extui %and3A_46 : i1 to i32
      %cond3A_48 = arith.constant 0 : i32
      %cond3A_49 = arith.cmpi ne, %convert_element_type3A_47, %cond3A_48 : i32
      scf.if %cond3A_49 {
        %sub3A = arith.constant 1 : i32
        %sub3A_50 = arith.subi %scan3A_14, %sub3A : i32
        %div3A = arith.constant 4 : i32
        %div3A_51 = arith.divsi %sub3A_50, %div3A : i32
        %mul3A_52 = arith.constant 16 : i32
        %mul3A_53 = arith.muli %div3A_51, %mul3A_52 : i32
        %swap3A = arith.index_cast %mul3A_53 : i32 to index
        %swap3A_54 = tpu.vector_load %arg11[%swap3A] {strides = array<i32>} : memref<512xf32, #tpu.memory_space<vmem>>, vector<16xf32>,
        tpu.vector_store %arg11[%swap3A], %cond3A_39 {strides = array<i32>} : memref<512xf32, #tpu.memory_space<vmem>>, vector<16xf32>,
      } else {
      }
      scf.yield %cond3A_39 : vector<16xf32>
    }
    %scan3A_13 = arith.constant 129 : i32
    "tpu.region"() ({
      %run_scoped3A = tpu.sem_alloc : memref<!tpu.dma_semaphore, #tpu.memory_space<semaphore_mem>>
      %dma_start3A = tpu.memref_slice %arg6[%mul3A_2] : memref<16384xf32, #tpu.memory_space<hbm>> -> memref<512xf32, #tpu.memory_space<hbm>>
      %dma_start3A_14 = tpu.memref_slice %arg6[%mul3A_2] : memref<16384xf32, #tpu.memory_space<hbm>> -> memref<512xf32, #tpu.memory_space<hbm>>
      tpu.enqueue_dma source(%arg11 : memref<512xf32, #tpu.memory_space<vmem>>) target(%dma_start3A_14 : memref<512xf32, #tpu.memory_space<hbm>>) target_semaphore(%run_scoped3A : memref<!tpu.dma_semaphore, #tpu.memory_space<semaphore_mem>>)
      %dma_wait3A = tpu.memref_slice %arg6[%mul3A_2] : memref<16384xf32, #tpu.memory_space<hbm>> -> memref<512xf32, #tpu.memory_space<hbm>>
      %dma_wait3A_15 = tpu.memref_slice %arg6[%mul3A_2] : memref<16384xf32, #tpu.memory_space<hbm>> -> memref<512xf32, #tpu.memory_space<hbm>>
      tpu.wait_dma2 semaphore(%run_scoped3A : memref<!tpu.dma_semaphore, #tpu.memory_space<semaphore_mem>>) src(%arg11 : memref<512xf32, #tpu.memory_space<vmem>>) dst(%dma_wait3A_15 : memref<512xf32, #tpu.memory_space<hbm>>)
      tpu.yield
    }) : () -> ()
    return
  }
}

</mosaic_0001>

<sc_bundles>
// kernel: kernel.3.cloned.1.call-start
scs
__scs_entry_jumppad:
0x0: {  	(pc) =	sbr.rel $0x88, $3  }
0x1: {  	(tag) =	ssettag $0x0;
	lr =	simm.s32 $0x1  }
0x2: {  	[smem:$0x3F9E] =	sst lr;
	_ =	strace $0xD0000000  }
0x3: {  	_ = 	snop  }
0x4: {  	_ = 	snop  }
0x5: {  	_ = 	snop  }
0x6: {  	_ = 	snop  }
0x7: {  	_ = 	snop  }
__scs_overlays_trampoline_lowered:
0x8: {  	[smem:$0x3FAD] =	sst s0  }
0x9: {  	[smem:$0x3FAE] =	sst s1  }
0xa: {  	[smem:$0x3FAF] =	sst s2  }
0xb: {  	[smem:$0x3FB0] =	sst s3  }
0xc: {  	[smem:$0x3FB1] =	sst s4  }
0xd: {  	[smem:$0x3FB2] =	sst s5  }
0xe: {  	[smem:$0x3FB3] =	sst s6  }
0xf: {  	[smem:$0x3FB4] =	sst s7  }
0x10: {  	[smem:$0x3FB5] =	sst s8  }
0x11: {  	[smem:$0x3FB6] =	sst s9;
	s0 =	simm.s32 @!p0 $0x0  }
0x12: {  	s1 =	sld [smem:$0x3F9C];
	s0 =	simm.s32 @p0 $0x1  }
0x13: {  	[smem:$0x3FB7] =	sst s0;
	s0 =	simm.s32 @!p1 $0x0  }
0x14: {  	s2 =	sld [smem:$0x3F9B];
	s0 =	simm.s32 @p1 $0x1  }
0x15: {  	[smem:$0x3FB8] =	sst s0;
	s0 =	simm.s32 @!p2 $0x0  }
0x16: {  	s3 =	sld [smem:$0x3FDB];
	s0 =	simm.s32 @p2 $0x1  }
0x17: {  	s4 =	simm.s32 $0x1BF5;
	[smem:$0x3FBA] =	sst s0  }
0x18: {  	s0 =	sld [smem:$0x3F9D];
	_ =	swait.ge [sflag:s4], $0x0  }
0x19: {  	s7 =	sld [smem:$0x3F9E]  }
0x1a: {  	s8 =	sadd.s32 $0xFFFFE003, lr  }
0x1b: {  	s9 =	sadd.s32 $0xFFFFFEF7, lr;
	s5 =	simm.s32 $0xFFFFFFFF;
	p2 =	slt.u32 s8, $0xFFFFF086  }
0x1c: {  	p1 =	slt.u32 s9, $0xF7A;
	s5 =	simm.s32 @!p2 $0x0  }
0x1d: {  	s5 =	simm.s32 @p1 $0x1;
	p0 =	seq.s32 s7, s2  }
0x1e: {  	s7 =	smul.u32 @!p0 $0xF7A, s2;
	p2 =	seq.s32 @!p0 s5, $0x0  }
0x1f: {  	s9 =	smul.u32 $0xF7A, s1;
	s8 =	simm.s32 @!p0 $0x1BF5;
	p2 =	por !p2, p0  }
0x20: {  	[sflag:s8] =	ssyncset.s32 @!p0 $0xFFFFF086;
	s6 =	sadd.s32 @!p0 s3, s7;
	s7 =	simm.s32 @!p0 $0x108  }
0x21: {  	s3 =	sadd.s32 s3, s9;
	s6 =	sadd.s32 @!p0 $0x88, s6;
	s7 =	simm.s32 @p2 $0x1082  }
0x22: {  	[simem:s7], [sflag:s8] =	dma.local @!p0 [hbm:s6], $0xF7A  }
0x23: {  	s9 =	sor.u32 $0xD0000000, s2;
	s6 =	simm.s32 $0x108;
	_ =	swait.ge @!p0 [sflag:s8], $0x0  }
0x24: {  	s3 =	sadd.s32 $0x88, s3;
	s6 =	simm.s32 @!p1 $0x1082;
	[sflag:s4] =	ssyncset.s32 $0xFFFFF086  }
0x25: {  	[simem:s6], [sflag:s4] =	dma.local [hbm:s3], $0xF7A  }
0x26: {  	[smem:$0x3F9E] =	sst s1;
	(tag) =	ssettag s2;
	_ =	strace s9  }
0x27: {  	s1 =	sld [smem:$0x3FAE]  }
0x28: {  	s2 =	sld [smem:$0x3FAF]  }
0x29: {  	s4 =	sld [smem:$0x3FB1]  }
0x2a: {  	p0 =	seq.s32 s5, $0x0;
	s5 =	sld [smem:$0x3FB2]  }
0x2b: {  	s6 =	sld [smem:$0x3FB3]  }
0x2c: {  	s7 =	sld [smem:$0x3FB4]  }
0x2d: {  	s3 =	simm.s32 $0x108;
	s8 =	sld [smem:$0x3FB5]  }
0x2e: {  	s3 =	simm.s32 @!p0 $0x1082;
	s9 =	sld [smem:$0x3FB6]  }
0x2f: {  	lr =	sadd.s32 s0, s3;
	s0 =	sld [smem:$0x3FAD]  }
0x30: {  	s3 =	sld [smem:$0x3FB0]  }
0x31: {  	[smem:$0x3FB9] =	sst s10  }
0x32: {  	s10 =	sld [smem:$0x3FB7];
	_ =	sdelay $0x3  }
0x33: {  	p0 =	seq.s32 s10, $0x1;
	s10 =	sld [smem:$0x3FB9];
	_ =	sdelay $0x3  }
0x34: {  	[smem:$0x3FB9] =	sst s10  }
0x35: {  	s10 =	sld [smem:$0x3FB8];
	_ =	sdelay $0x3  }
0x36: {  	p1 =	seq.s32 s10, $0x1;
	s10 =	sld [smem:$0x3FB9];
	_ =	sdelay $0x3  }
0x37: {  	[smem:$0x3FB9] =	sst s10  }
0x38: {  	s10 =	sld [smem:$0x3FBA]  }
0x39: {  	_ = 	snop;
	(pc) =	sbr.ind lr, $3  }
0x3a: {  	_ = 	snop  }
0x3b: {  	_ = 	snop  }
0x3c: {  	p2 =	seq.s32 s10, $0x1;
	s10 =	sld [smem:$0x3FB9]  }
0x3d: {  	_ =	shalt  }
0x3e: {  	_ =	shalt  }
0x3f: {  	_ =	shalt  }
0x40: {  	_ =	shalt  }
0x41: {  	_ =	shalt  }
0x42: {  	_ =	shalt  }
0x43: {  	_ =	shalt  }
0x44: {  	_ =	shalt  }
0x45: {  	_ =	shalt  }
0x46: {  	_ =	shalt  }
0x47: {  	_ =	shalt  }
0x48: {  	_ =	shalt  }
0x49: {  	_ =	shalt  }
0x4a: {  	_ =	shalt  }
0x4b: {  	_ =	shalt  }
0x4c: {  	_ =	shalt  }
0x4d: {  	_ =	shalt  }
0x4e: {  	_ =	shalt  }
0x4f: {  	_ =	shalt  }
0x50: {  	_ =	shalt  }
0x51: {  	_ =	shalt  }
0x52: {  	_ =	shalt  }
0x53: {  	_ =	shalt  }
0x54: {  	_ =	shalt  }
0x55: {  	_ =	shalt  }
0x56: {  	_ =	shalt  }
0x57: {  	_ =	shalt  }
0x58: {  	_ =	shalt  }
0x59: {  	_ =	shalt  }
0x5a: {  	_ =	shalt  }
0x5b: {  	_ =	shalt  }
0x5c: {  	_ =	shalt  }
0x5d: {  	_ =	shalt  }
0x5e: {  	_ =	shalt  }
0x5f: {  	_ =	shalt  }
0x60: {  	_ =	shalt  }
0x61: {  	_ =	shalt  }
0x62: {  	_ =	shalt  }
0x63: {  	_ =	shalt  }
0x64: {  	_ =	shalt  }
0x65: {  	_ =	shalt  }
0x66: {  	_ =	shalt  }
0x67: {  	_ =	shalt  }
0x68: {  	_ =	shalt  }
0x69: {  	_ =	shalt  }
0x6a: {  	_ =	shalt  }
0x6b: {  	_ =	shalt  }
0x6c: {  	_ =	shalt  }
0x6d: {  	_ =	shalt  }
0x6e: {  	_ =	shalt  }
0x6f: {  	_ =	shalt  }
0x70: {  	_ =	shalt  }
0x71: {  	_ =	shalt  }
0x72: {  	_ =	shalt  }
0x73: {  	_ =	shalt  }
0x74: {  	_ =	shalt  }
0x75: {  	_ =	shalt  }
0x76: {  	_ =	shalt  }
0x77: {  	_ =	shalt  }
0x78: {  	_ =	shalt  }
0x79: {  	_ =	shalt  }
0x7a: {  	_ =	shalt  }
0x7b: {  	_ =	shalt  }
0x7c: {  	_ =	shalt  }
0x7d: {  	_ =	shalt  }
0x7e: {  	_ =	shalt  }
0x7f: {  	_ =	shalt  }
0x80: {  	_ =	shalt  }
0x81: {  	_ =	shalt  }
0x82: {  	_ =	shalt  }
0x83: {  	_ =	shalt  }
0x84: {  	_ =	shalt  }
0x85: {  	_ =	shalt  }
0x86: {  	_ =	shalt  }
0x87: {  	_ =	shalt  }
.Lfunc_end0:
.L_simem_size_0:
called_computation_lowered:
.L_overlay_start_0:
0x88: {  	s2 =	sld [smem:$0x3FD9]  }
0x89: {  	s3 =	sld [smem:$0x3FFE];
	_ =	sdelay $0x1  }
0x8a: {  	s1 =	srdreg.scid  }
0x8b: {  	s0 =	sand.u32 $0x1, s1  }
0x8c: {  	s17 =	sshll.u32 s0, $0xA;
	s2 =	sadd.s32 s3, s2  }
0x8d: {  	s2 =	sadd.s32 s2, s17  }
0x8e: {  	[smem:$0x3FC5] =	sst s2  }
0x8f: {  	_ = 	snop  }
0x90: {  	s2 =	sld [smem:$0x3FC8]  }
0x91: {  	s18 =	sld [smem:$0x3FC7]  }
0x92: {  	s4 =	sld [smem:$0x3FD0];
	(tm) =	ssettm $0x1  }
0x93: {  	s5 =	sld [smem:$0x3FFB];
	_ =	sdelay $0x3  }
0x94: {  	_ =	strace s5  }
0x95: {  	s5 =	sld [smem:$0x3FFC];
	_ =	sdelay $0x3  }
0x96: {  	_ =	strace s5  }
0x97: {  	s5 =	sld [smem:$0x3FFD];
	_ =	sdelay $0x3  }
0x98: {  	_ =	strace s5  }
0x99: {  	_ =	strace $0x8FFFFFFF  }
0x9a: {  	s19 =	sld [smem:$0x3FDB];
	_ =	sdelay $0x1  }
0x9b: {  	s6 =	simm.s32 $_scs_section_size  }
0x9c: {  	s7 =	simm.s32 $_size__tile_overlayer_lowered;
	s8 =	simm.s32 $_tile_overlayer_lowered  }
0x9d: {  	s22 =	simm.s32 $0x1BFF;
	s21 =	sshll.u32 s8, $0x1;
	s5 =	sadd.s32 s6, s19  }
0x9e: {  	s9 =	simm.s32 $0x0;
	s20 =	sshll.u32 s7, $0x1;
	s7 =	sadd.s32 s21, s5  }
0x9f: {  	[timem:s9], [sflag:s22] =	dma.local [hbm:s7], s20  }
0xa0: {  	_ =	swait.ge [sflag:s22], s20  }
0xa1: {  	s6 =	ssub.s32 $0x0, s20;
	[sflag:s22] =	ssyncset.done $0x0  }
0xa2: {  	[sflag:s22] =	ssyncadd.s32 s6;
	_ =	sdelay $0x1  }
0xa3: {  	s23 =	simm.s32 $0x1B8B  }
0xa4: {  	_ =	swait.ge [sflag:s23], $0x1  }
0xa5: {  	[sflag:s23] =	ssyncset.done $0x0  }
0xa6: {  	s25 =	simm.s32 $0x1B8E;
	s24 =	sld [smem:$0x3FFE];
	[sflag:s23] =	ssyncadd.s32 $0xFFFFFFFF  }
0xa7: {  	s26 =	simm.s32 $execute0_lowered;
	[smem:$0x3FD2] =	sst s25  }
0xa8: {  	s7 =	sshll.u32 s26, $0x1;
	_ =	strace $0x80000046;
	[dreg:$0x1] =	wrdreg $0xFFFFFFFF  }
0xa9: {  	s28 =	simm.s32 $_size_execute0_lowered;
	s5 =	sadd.s32 s5, s7;
	[dreg:$0x0] =	wrdreg $0x0  }
0xaa: {  	s7 =	sshll.u32 s28, $0x1;
	[dreg:$0x2] =	wrdreg s5  }
0xab: {  	[dreg:$0x3] =	wrdreg s7  }
0xac: {  	[dreg:$0x4] =	wrdreg $0xC0  }
0xad: {  	_ =	task [dreg:s9], $0x5FFFF  }
0xae: {  	[dreg:$0x1] =	wrdreg $0xFFFFFFFF  }
0xaf: {  	[dreg:$0x0] =	wrdreg $0x60  }
0xb0: {  	[dreg:$0x2] =	wrdreg s24  }
0xb1: {  	[dreg:$0x3] =	wrdreg s2  }
0xb2: {  	[dreg:$0x4] =	wrdreg s18  }
0xb3: {  	[dreg:$0x5] =	wrdreg s4  }
0xb4: {  	[dreg:$0x6] =	wrdreg $0x9  }
0xb5: {  	_ =	task.clear_ibuf [dreg:s9], $0x7FFFF;
	_ =	strace $0x90000046  }
0xb6: {  	s29 =	simm.s32 $0x9;
	_ =	strace $0x80000048  }
0xb7: {  	_ =	swait.ge [sflag:s29], $0x1  }
0xb8: {  	[sflag:s29] =	ssyncadd.s32 $0xFFFFFFFF  }
0xb9: {  	_ =	strace $0x90000048  }
0xba: {  	_ =	sfence  }
0xbb: {  	s30 =	sld [smem:$0x0];
	_ =	sdelay $0x2  }
0xbc: {  	s31 =	sshll.u32 s1, $0xD;
	s1 =	sshrl.u32 s1, $0x2  }
0xbd: {  	s3 =	sand.u32 $0x4000, s31;
	s1 =	sadd.s32 s1, s30  }
0xbe: {  	s0 =	sor.u32 s3, s0;
	s1 =	sshll.u32 s1, $0x11  }
0xbf: {  	s0 =	sor.u32 s1, s0  }
0xc0: {  	s0 =	sadd.s32 $0x8F2B, s0  }
0xc1: {  	[sflag:s0] =	ssyncadd.remote.s32 $0x1  }
0xc2: {  	_ =	sfence.sel $0xFFFF  }
0xc3: {  	[dreg:$0x0] =	wrdreg $0xFFFFFFFF;
	(pc) =	sbr.abs _section_cstart, $3  }
0xc4: {  	[dreg:$0x1] =	wrdreg $0xFFFFFFFF  }
0xc5: {  	_ =	task.clear_ibuf [dreg:s9], $0x2FFFF;
	_ =	strace $0x9FFFFFFF  }
0xc6: {  	(tm) =	ssettm $0x7FFFFFFF  }
0xc7: {  	_ =	shalt  }
tec
execute0_lowered:
.L_overlay_start_1:
0x0: {  	(tag) =	ssettag $0x1  }
0x1: {  	s0 =	rddreg [dreg:$0x0]  }
0x2: {  	s2 =	rddreg [dreg:$0x1]  }
0x3: {  	s3 =	rddreg [dreg:$0x2];
	s1 =	srdreg.scid  }
0x4: {  	s7 =	rddreg [dreg:$0x3];
	s4 =	stileid.u32;
	s9 =	simm.s32 $0x3  }
0x5: {  	s11 =	simm.s32 $0x7A1400;
	s12 =	simm.s32 $0x400;
	s13 =	simm.s32 $0x8400  }
0x6: {  	s14 =	simm.s32 $0x1400;
	s15 =	simm.s32 $0x9400;
	s16 =	simm.s32 $0x2400  }
0x7: {  	s17 =	simm.s32 $0xA400;
	s18 =	simm.s32 $0x3400;
	s19 =	simm.s32 $0xB400  }
0x8: {  	s21 =	simm.s32 $0x4400;
	s22 =	simm.s32 $0xC400;
	s23 =	simm.s32 $0x5400  }
0x9: {  	s24 =	simm.s32 $0xD400;
	s25 =	simm.s32 $0x6400;
	s28 =	simm.s32 $0x7400  }
0xa: {  	s29 =	simm.s32 $0xF400;
	s30 =	simm.s32 $0x0;
	s1 =	sand.u32 $0x1, s1  }
0xb: {  	s5 =	sshll.u32 s4, $0x7;
	s4 =	simm.s32 $0x0;
	s6 =	sshll.u32 s1, $0x6  }
.Ltmp0:
0xc: {  	s1 =	ssub.s32 $0x2, s1;
	s8 =	sor.u32 s6, s5;
	(pc) =	sbr.rel .LBB2_1-.Ltmp0, $4  }
0xd: {  	v0 =	vlaneseq.u32;
	[smem:$0x7FF] =	sst s4;
	s26 =	sshrl.u32 s1, $0x1;
	s0 =	sadd.s32 s8, s0  }
0xe: {  	v1 =	vmul.u32 $0x80, v0;
	_ =	strace $0x80000047;
	s1 =	ssub.s32 s1, s26;
	s31 =	sadd.s32 $0xE00, s0  }
0xf: {  	s7 =	sadd.s32 s7, s8;
	s0 =	sadd.s32 $0x600, s0;
	[dreg:$0x5] =	wrdreg s31  }
0x10: {  	v2 =	vor.u32 $0x800, v1;
	s26 =	simm.s32 $0xE400;
	s8 =	smax.u32 s1, $0x1;
	[dreg:$0x6] =	wrdreg s0  }
.LBB2_8:
0x11: {  	s30 =	sadd.s32 $0x1, s30  }
0x12: {  	p0 =	sne.s32 s30, s8  }
.Ltmp1:
0x13: {  	s0 =	simm.s32 $0x10400;
	(pc) =	sbr.rel @!p0 .LBB2_9-.Ltmp1, $4  }
0x14: {  	[hbm4b:s7+s4] =	stream.linear.scatter [tilespmem:s0], [sflag:$0x3], $0x200, $0x38;
	[tilespmem:$0x10600] =	vst v63  }
0x15: {  	_ =	swait.ge [sflag:s9], $0x200  }
0x16: {  	[sflag:s9] =	ssyncset.done $0x0  }
0x17: {  	[sflag:s9] =	ssyncadd.s32 $0xFFFFFE00  }
.LBB2_1:
0x18: {  	s0 =	rddreg [dreg:$0x5]  }
0x19: {  	[tilespmem:s4], [sflag:$0x3] =	stream.linear.gather [hbm4b:s0+s4], $0x200, $0x38;
	[tilespmem:$0x10600] =	vst v63  }
0x1a: {  	_ =	swait.ge [sflag:s9], $0x200  }
0x1b: {  	s1 =	simm.s32 $0x200;
	[sflag:s9] =	ssyncset.done $0x0  }
.Ltmp2:
0x1c: {  	s20 =	rddreg [dreg:$0x6];
	[sflag:s9] =	ssyncadd.s32 $0xFFFFFE00;
	(pc) =	sbr.rel .LBB2_2-.Ltmp2, $4  }
0x1d: {  	[tilespmem:s1], [sflag:$0x3] =	stream.linear.gather [hbm4b:s20+s4], $0x200, $0x38;
	[tilespmem:$0x10600] =	vst v63  }
0x1e: {  	_ =	swait.ge [sflag:s9], $0x200  }
0x1f: {  	s31 =	simm.s32 $0x103F0;
	[sflag:s9] =	ssyncset.done $0x0  }
0x20: {  	v3 =	vimm.f32 $0.0e+00;
	s0 =	simm.s32 $0x0;
	s1 =	simm.s32 $0x0;
	[sflag:s9] =	ssyncadd.s32 $0xFFFFFE00  }
.LBB2_6:
0x21: {  	p0 =	seq.s32 s10, $0x1;
	s5 =	simm.s32 $0x1  }
0x22: {  	s5 =	simm.s32 @!p0 $0x2  }
0x23: {  	_ =	swait.ge [sflag:s5], $0x1000  }
0x24: {  	[sflag:s5] =	ssyncset.done $0x0  }
0x25: {  	[sflag:s5] =	ssyncadd.s32 $0xFFFFF000  }
0x26: {  	_ =	swait.ge [sflag:s5], $0x1000  }
0x27: {  	[sflag:s5] =	ssyncset.done $0x0  }
0x28: {  	[sflag:s5] =	ssyncadd.s32 $0xFFFFF000  }
0x29: {  	_ =	swait.ge [sflag:s5], $0x1000  }
0x2a: {  	[sflag:s5] =	ssyncset.done $0x0  }
0x2b: {  	[sflag:s5] =	ssyncadd.s32 $0xFFFFF000  }
0x2c: {  	_ =	swait.ge [sflag:s5], $0x1000  }
0x2d: {  	[sflag:s5] =	ssyncset.done $0x0  }
0x2e: {  	[sflag:s5] =	ssyncadd.s32 $0xFFFFF000  }
0x2f: {  	_ =	swait.ge [sflag:s5], $0x1000  }
0x30: {  	[sflag:s5] =	ssyncset.done $0x0  }
0x31: {  	[sflag:s5] =	ssyncadd.s32 $0xFFFFF000  }
0x32: {  	_ =	swait.ge [sflag:s5], $0x1000  }
0x33: {  	[sflag:s5] =	ssyncset.done $0x0  }
0x34: {  	[sflag:s5] =	ssyncadd.s32 $0xFFFFF000  }
0x35: {  	_ =	swait.ge [sflag:s5], $0x1000  }
0x36: {  	[sflag:s5] =	ssyncset.done $0x0  }
0x37: {  	[sflag:s5] =	ssyncadd.s32 $0xFFFFF000  }
0x38: {  	_ =	swait.ge [sflag:s5], $0x1000  }
0x39: {  	s6 =	sadd.s32 $0xFFFFFFFC, s0;
	[sflag:s5] =	ssyncset.done $0x0  }
0x3a: {  	s10 =	sand.u32 $0x7FFFFFF0, s6;
	[sflag:s5] =	ssyncadd.s32 $0xFFFFF000  }
0x3b: {  	v4 =	vld [tilespmem:s10+$0x0];
	_ =	sdelay $0x1  }
0x3c: {  	s5 =	sand.u32 $0xC, s6;
	v5 =	vld [tilespmem:s10+$0x200]  }
0x3d: {  	v6 =	vmov s5  }
0x3e: {  	vm0 =	veq.s32 v6, v0  }
0x3f: {  	v6 =	vnsel vm0, $0x0, v4  }
0x40: {  	s20 =	sor.u32 $0x1, s5;
	(xrf0) =	vadd.scan.msk.s32 $0xffff, v6  }
0x41: {  	v7 =	vmov s20;
	v44 =	vnsel vm0, $0x0, v5  }
0x42: {  	vm1 =	veq.s32 v7, v0;
	(xrf0) =	vadd.scan.msk.s32 $0xffff, v44  }
0x43: {  	v45 =	vnsel vm1, $0x0, v4  }
0x44: {  	s20 =	sor.u32 $0x2, s5;
	(xrf0) =	vadd.scan.msk.s32 $0xffff, v45  }
0x45: {  	v47 =	vmov s20;
	v46 =	vnsel vm1, $0x0, v5  }
0x46: {  	vm2 =	veq.s32 v47, v0;
	v8, _, _ =	vpop (xrf0);
	(xrf0) =	vadd.scan.msk.s32 $0xffff, v46  }
0x47: {  	v48 =	vnsel vm2, $0x0, v4;
	(v2sf) =	vpush v8, $0xF  }
0x48: {  	s5 =	sor.u32 $0x3, s5;
	v49, _, _ =	vpop (xrf0);
	(xrf0) =	vadd.scan.msk.s32 $0xffff, v48  }
0x49: {  	v51 =	vmov s5;
	v50 =	vnsel vm2, $0x0, v5;
	(v2sf) =	vpush v49, $0xF  }
0x4a: {  	vm3 =	veq.s32 v51, v0;
	v52, _, _ =	vpop (xrf0);
	(xrf0) =	vadd.scan.msk.s32 $0xffff, v50  }
0x4b: {  	v4 =	vnsel vm3, $0x0, v4;
	(v2sf) =	vpush v52, $0xF  }
0x4c: {  	v53, _, _ =	vpop (xrf0);
	(xrf0) =	vadd.scan.msk.s32 $0xffff, v4  }
0x4d: {  	v4 =	vnsel vm3, $0x0, v5;
	(v2sf) =	vpush v53, $0xF  }
0x4e: {  	v5, _, _ =	vpop (xrf0);
	(xrf0) =	vadd.scan.msk.s32 $0xffff, v4  }
0x4f: {  	(v2sf) =	vpush v5, $0xF  }
0x50: {  	v4, _, _ =	vpop (xrf0)  }
0x51: {  	(v2sf) =	vpush v4, $0xF  }
0x52: {  	v4, _, _ =	vpop (xrf0)  }
0x53: {  	(v2sf) =	vpush v4, $0xF  }
0x54: {  	v4, _, _ =	vpop (xrf0)  }
0x55: {  	s6 =	sand.u32 $0x4, s6;
	(v2sf) =	vpush v4, $0xF  }
0x56: {  	s5 =	sshll.u32 s6, $0xC;
	s10 =	spop (v2sf)  }
0x57: {  	v4 =	vor.u32 s5, v1;
	s6 =	sand.u32 $0x7F, s10  }
0x58: {  	v54 =	vor.u32 s5, v2;
	s20 =	spop (v2sf);
	v5 =	vor.u32 s6, v4  }
0x59: {  	s10 =	sand.u32 $0x7F, s20;
	v55 =	vor.u32 s6, v54  }
0x5a: {  	s6 =	spop (v2sf);
	s20 =	sor.u32 $0x1000, s5;
	v4 =	vor.u32 s10, v4  }
0x5b: {  	v6 =	vor.u32 s10, v54;
	s6 =	sand.u32 $0x7F, s6;
	v56 =	vor.u32 s20, v1  }
0x5c: {  	v10 =	vor.u32 s20, v2;
	v9 =	vor.u32 s6, v56;
	s10 =	spop (v2sf)  }
0x5d: {  	v11 =	vor.u32 s6, v10;
	v5 =	vld.idx.msk [tilespmem:v5+s12+$0x0], $0xffff;
	s10 =	sand.u32 $0x7F, s10  }
0x5e: {  	s20 =	sor.u32 $0x2000, s5;
	s6 =	spop (v2sf);
	v7 =	vld.idx.msk [tilespmem:v55+s12+$0x0], $0xffff;
	v8 =	vor.u32 s10, v56  }
0x5f: {  	v12 =	vor.u32 s20, v1;
	v4 =	vld.idx.msk [tilespmem:v4+s13+$0x0], $0xffff;
	v10 =	vor.u32 s10, v10;
	s6 =	sand.u32 $0x7F, s6  }
0x60: {  	v14 =	vor.u32 s20, v2;
	v6 =	vld.idx.msk [tilespmem:v6+s13+$0x0], $0xffff;
	s10 =	spop (v2sf);
	v13 =	vor.u32 s6, v12  }
0x61: {  	v9 =	vld.idx.msk [tilespmem:v9+s12+$0x0], $0xffff;
	v15 =	vor.u32 s6, v14;
	s10 =	sand.u32 $0x7F, s10  }
0x62: {  	s5 =	sor.u32 $0x3000, s5;
	v11 =	vld.idx.msk [tilespmem:v11+s12+$0x0], $0xffff;
	v12 =	vor.u32 s10, v12;
	s20 =	spop (v2sf)  }
0x63: {  	v16 =	vor.u32 s5, v1;
	v14 =	vor.u32 s10, v14;
	v8 =	vld.idx.msk [tilespmem:v8+s13+$0x0], $0xffff;
	s6 =	sand.u32 $0x7F, s20  }
0x64: {  	v18 =	vor.u32 s5, v2;
	v10 =	vld.idx.msk [tilespmem:v10+s13+$0x0], $0xffff;
	s20 =	spop (v2sf);
	v17 =	vor.u32 s6, v16  }
0x65: {  	v13 =	vld.idx.msk [tilespmem:v13+s12+$0x0], $0xffff;
	s10 =	sand.u32 $0x7F, s20;
	v19 =	vor.u32 s6, v18  }
0x66: {  	v15 =	vld.idx.msk [tilespmem:v15+s12+$0x0], $0xffff;
	v16 =	vor.u32 s10, v16  }
0x67: {  	v18 =	vor.u32 s10, v18;
	v12 =	vld.idx.msk [tilespmem:v12+s13+$0x0], $0xffff  }
0x68: {  	v14 =	vld.idx.msk [tilespmem:v14+s13+$0x0], $0xffff  }
0x69: {  	v17 =	vld.idx.msk [tilespmem:v17+s12+$0x0], $0xffff  }
0x6a: {  	v19 =	vld.idx.msk [tilespmem:v19+s12+$0x0], $0xffff  }
0x6b: {  	v16 =	vld.idx.msk [tilespmem:v16+s13+$0x0], $0xffff  }
0x6c: {  	v18 =	vld.idx.msk [tilespmem:v18+s13+$0x0], $0xffff;
	_ =	sdelay $0x1  }
0x6d: {  	v4 =	vmul.f32 v4, v5;
	v5 =	vmul.f32 v6, v7  }
0x6e: {  	v57 =	vmul.f32 v8, v9;
	v58 =	vmul.f32 v10, v11  }
0x6f: {  	v4 =	vadd.f32 v5, v4;
	v5 =	vmul.f32 v12, v13;
	v59 =	vmul.f32 v14, v15  }
0x70: {  	v6 =	vadd.f32 v58, v57;
	v60 =	vmul.f32 v16, v17;
	v61 =	vmul.f32 v18, v19  }
0x71: {  	(xrf2) =	vadd.scan.msk.f32 $0xffff, v4;
	v4 =	vadd.f32 v59, v5  }
0x72: {  	(xrf2) =	vadd.scan.msk.f32 $0xffff, v6;
	v5 =	vadd.f32 v61, v60  }
0x73: {  	(xrf2) =	vadd.scan.msk.f32 $0xffff, v4  }
0x74: {  	(xrf2) =	vadd.scan.msk.f32 $0xffff, v5;
	_ =	sdelay $0x6  }
0x75: {  	v4, _, _ =	vpop (xrf2)  }
0x76: {  	v4 =	vbroadcast v4, $0xF;
	v5, _, _ =	vpop (xrf2)  }
0x77: {  	v5 =	vbroadcast v5, $0xF;
	v62, _, _ =	vpop (xrf2)  }
0x78: {  	v3 =	vsel vm0, v4, v3;
	v4 =	vbroadcast v62, $0xF;
	v63, _, _ =	vpop (xrf2)  }
0x79: {  	v3 =	vsel vm1, v5, v3;
	v5 =	vbroadcast v63, $0xF  }
0x7a: {  	s20 =	sand.u32 $0x3, s1;
	v3 =	vsel vm2, v4, v3  }
0x7b: {  	p0 =	sne.s32 s20, $0x0;
	v3 =	vsel vm3, v5, v3  }
0x7c: {  	[tilespmem:s31+$0x0] =	vst @!p0 v3  }
.LBB2_7:
0x7d: {  	s0 =	sadd.s32 $0x4, s0  }
0x7e: {  	p0 =	sne.s32 s0, $0x204  }
.Ltmp3:
0x7f: {  	_ = 	snop;
	(pc) =	sbr.rel @!p0 .LBB2_8-.Ltmp3, $2  }
0x80: {  	_ =	sdelay $0x2  }
0x81: {  	s1 =	sadd.s32 $0x1, s1;
	s31 =	sadd.s32 $0x4, s31  }
.LBB2_2:
0x82: {  	p0 =	seq.s32 s0, $0x200;
	s10 =	sand.u32 $0x1, s1  }
0x83: {  	p1 =	seq.s32 @!p0 s10, $0x0  }
0x84: {  	p0 =	por p0, !p1  }
.Ltmp4:
0x85: {  	_ = 	snop;
	(pc) =	sbr.rel @p0 .LBB2_3-.Ltmp4, $1  }
0x86: {  	_ =	sdelay $0x3  }
0x87: {  	s5 =	sand.u32 $0x3F0, s0  }
0x88: {  	v4 =	vld [tilespmem:s5+$0x200]  }
0x89: {  	v5 =	vld [tilespmem:s5+$0x0];
	_ =	sdelay $0x1  }
0x8a: {  	s5 =	sand.u32 $0x8, s0  }
0x8b: {  	v6 =	vmov s5  }
0x8c: {  	vm0 =	veq.s32 v6, v0;
	v4 =	vshrl.u32 v4, $0x7  }
0x8d: {  	v5 =	vshrl.u32 v5, $0x7;
	v6 =	vnsel vm0, $0x0, v4  }
0x8e: {  	v51 =	vnsel vm0, $0x0, v5;
	(xrf0) =	vadd.scan.msk.s32 $0xffff, v6  }
0x8f: {  	(xrf0) =	vadd.scan.msk.s32 $0xffff, v51;
	_ =	sdelay $0x3  }
0x90: {  	s6 =	sor.u32 $0x1, s5  }
0x91: {  	v7 =	vmov s6;
	v52, _, _ =	vpop (xrf0)  }
0x92: {  	vm13 =	veq.s32 v7, v0;
	(v2sf) =	vpush v52, $0xF;
	v53, _, _ =	vpop (xrf0)  }
0x93: {  	v54 =	vnsel vm13, $0x0, v4;
	(v2sf) =	vpush v53, $0xF  }
0x94: {  	v55 =	vnsel vm13, $0x0, v5;
	(xrf0) =	vadd.scan.msk.s32 $0xffff, v54  }
0x95: {  	(xrf0) =	vadd.scan.msk.s32 $0xffff, v55;
	_ =	sdelay $0x2  }
0x96: {  	s20 =	sor.u32 $0x2, s5  }
0x97: {  	v56 =	vmov s20  }
0x98: {  	vm14 =	veq.s32 v56, v0;
	v57, _, _ =	vpop (xrf0)  }
0x99: {  	v58 =	vnsel vm14, $0x0, v4;
	(v2sf) =	vpush v57, $0xF;
	v59, _, _ =	vpop (xrf0)  }
0x9a: {  	v60 =	vnsel vm14, $0x0, v5;
	(xrf0) =	vadd.scan.msk.s32 $0xffff, v58;
	(v2sf) =	vpush v59, $0xF  }
0x9b: {  	(xrf0) =	vadd.scan.msk.s32 $0xffff, v60;
	_ =	sdelay $0x1  }
0x9c: {  	s5 =	sor.u32 $0x3, s5  }
0x9d: {  	v62 =	vmov s5  }
0x9e: {  	vm15 =	veq.s32 v62, v0;
	s6 =	spop (v2sf)  }
0x9f: {  	v4 =	vnsel vm15, $0x0, v4;
	v61, _, _ =	vpop (xrf0);
	s20 =	spop (v2sf)  }
0xa0: {  	(xrf0) =	vadd.scan.msk.s32 $0xffff, v4;
	v63, _, _ =	vpop (xrf0);
	(v2sf) =	vpush v61, $0xF;
	s20 =	sshll.u32 s20, $0x7  }
0xa1: {  	v4 =	vnsel vm15, $0x0, v5;
	(v2sf) =	vpush v63, $0xF;
	s5 =	sand.u32 $0x1FFFFF80, s20  }
0xa2: {  	(xrf0) =	vadd.scan.msk.s32 $0xffff, v4;
	s6 =	sshll.u32 s6, $0x7;
	s5 =	sadd.s32 s2, s5  }
0xa3: {  	[tilespmem:s12], [sflag:$0x1] =	stream.strided.gather [hbm4b:s5+s12], $0x1000, s11, s12, $0x38;
	[tilespmem:$0x10600] =	vst v63  }
0xa4: {  	s5 =	sand.u32 $0x1FFFFF80, s6  }
0xa5: {  	s5 =	sadd.s32 s3, s5  }
0xa6: {  	v4, _, _ =	vpop (xrf0);
	[tilespmem:s13], [sflag:$0x1] =	stream.strided.gather [hbm4b:s5+s12], $0x1000, s11, s12, $0x38;
	[tilespmem:$0x10600] =	vst v63  }
0xa7: {  	s5 =	spop (v2sf);
	(v2sf) =	vpush v4, $0xF  }
0xa8: {  	v4, _, _ =	vpop (xrf0);
	s20 =	spop (v2sf)  }
0xa9: {  	(v2sf) =	vpush v4, $0xF;
	s6 =	sshll.u32 s20, $0x7  }
0xaa: {  	s5 =	sshll.u32 s5, $0x7;
	s6 =	sand.u32 $0x1FFFFF80, s6  }
0xab: {  	s5 =	sand.u32 $0x1FFFFF80, s5;
	s6 =	sadd.s32 s2, s6  }
0xac: {  	[tilespmem:s14], [sflag:$0x1] =	stream.strided.gather [hbm4b:s6+s12], $0x1000, s11, s12, $0x38;
	[tilespmem:$0x10600] =	vst v63  }
0xad: {  	s5 =	sadd.s32 s3, s5  }
0xae: {  	[tilespmem:s15], [sflag:$0x1] =	stream.strided.gather [hbm4b:s5+s12], $0x1000, s11, s12, $0x38;
	[tilespmem:$0x10600] =	vst v63  }
0xaf: {  	s6 =	spop (v2sf)  }
0xb0: {  	s20 =	spop (v2sf)  }
0xb1: {  	s20 =	sshll.u32 s20, $0x7  }
0xb2: {  	s5 =	sand.u32 $0x1FFFFF80, s20  }
0xb3: {  	s6 =	sshll.u32 s6, $0x7;
	s5 =	sadd.s32 s2, s5  }
0xb4: {  	[tilespmem:s16], [sflag:$0x1] =	stream.strided.gather [hbm4b:s5+s12], $0x1000, s11, s12, $0x38;
	[tilespmem:$0x10600] =	vst v63  }
0xb5: {  	s5 =	sand.u32 $0x1FFFFF80, s6  }
0xb6: {  	s5 =	sadd.s32 s3, s5;
	s6 =	spop (v2sf)  }
0xb7: {  	[tilespmem:s17], [sflag:$0x1] =	stream.strided.gather [hbm4b:s5+s12], $0x1000, s11, s12, $0x38;
	[tilespmem:$0x10600] =	vst v63  }
0xb8: {  	s20 =	spop (v2sf)  }
0xb9: {  	s5 =	sshll.u32 s20, $0x7  }
0xba: {  	s5 =	sand.u32 $0x1FFFFF80, s5  }
0xbb: {  	p0 =	seq.s32 s0, $0x0;
	s5 =	sadd.s32 s2, s5  }
0xbc: {  	[tilespmem:s18], [sflag:$0x1] =	stream.strided.gather [hbm4b:s5+s12], $0x1000, s11, s12, $0x38;
	[tilespmem:$0x10600] =	vst v63  }
.Ltmp5:
0xbd: {  	_ = 	snop;
	(pc) =	sbr.rel @!p0 .LBB2_6-.Ltmp5, $4  }
.Ltmp6:
0xbe: {  	s20 =	sshll.u32 s6, $0x7;
	(pc) =	sbr.rel @p0 .LBB2_7-.Ltmp6, $4  }
0xbf: {  	s5 =	sand.u32 $0x1FFFFF80, s20  }
0xc0: {  	s5 =	sadd.s32 s3, s5  }
0xc1: {  	[tilespmem:s19], [sflag:$0x1] =	stream.strided.gather [hbm4b:s5+s12], $0x1000, s11, s12, $0x38;
	[tilespmem:$0x10600] =	vst v63  }
0xc2: {  	_ = 	snop  }
.LBB2_3:
0xc3: {  	p0 =	seq.s32 s10, $0x0  }
.Ltmp7:
0xc4: {  	_ = 	snop;
	(pc) =	sbr.rel @p0 .LBB2_6-.Ltmp7, $1  }
0xc5: {  	_ =	sdelay $0x3  }
0xc6: {  	s20 =	sand.u32 $0x3F0, s0  }
0xc7: {  	v4 =	vld [tilespmem:s20+$0x200]  }
0xc8: {  	v5 =	vld [tilespmem:s20+$0x0];
	_ =	sdelay $0x1  }
0xc9: {  	s20 =	sand.u32 $0xC, s0  }
0xca: {  	v6 =	vmov s20  }
0xcb: {  	vm0 =	veq.s32 v6, v0;
	v4 =	vshrl.u32 v4, $0x7  }
0xcc: {  	v5 =	vshrl.u32 v5, $0x7;
	v6 =	vnsel vm0, $0x0, v4  }
0xcd: {  	v51 =	vnsel vm0, $0x0, v5;
	(xrf0) =	vadd.scan.msk.s32 $0xffff, v6  }
0xce: {  	(xrf0) =	vadd.scan.msk.s32 $0xffff, v51;
	_ =	sdelay $0x2  }
0xcf: {  	s5 =	sor.u32 $0x1, s20  }
0xd0: {  	v7 =	vmov s5  }
0xd1: {  	vm13 =	veq.s32 v7, v0;
	v52, _, _ =	vpop (xrf0)  }
0xd2: {  	v54 =	vnsel vm13, $0x0, v4;
	(v2sf) =	vpush v52, $0xF;
	v53, _, _ =	vpop (xrf0)  }
0xd3: {  	v55 =	vnsel vm13, $0x0, v5;
	(xrf0) =	vadd.scan.msk.s32 $0xffff, v54;
	(v2sf) =	vpush v53, $0xF  }
0xd4: {  	(xrf0) =	vadd.scan.msk.s32 $0xffff, v55;
	_ =	sdelay $0x2  }
0xd5: {  	s6 =	sor.u32 $0x2, s20  }
0xd6: {  	v56 =	vmov s6  }
0xd7: {  	vm14 =	veq.s32 v56, v0;
	v57, _, _ =	vpop (xrf0)  }
0xd8: {  	v58 =	vnsel vm14, $0x0, v4;
	(v2sf) =	vpush v57, $0xF;
	v59, _, _ =	vpop (xrf0)  }
0xd9: {  	v60 =	vnsel vm14, $0x0, v5;
	(xrf0) =	vadd.scan.msk.s32 $0xffff, v58;
	(v2sf) =	vpush v59, $0xF  }
0xda: {  	(xrf0) =	vadd.scan.msk.s32 $0xffff, v60;
	_ =	sdelay $0x1  }
0xdb: {  	s20 =	sor.u32 $0x3, s20  }
0xdc: {  	v62 =	vmov s20  }
0xdd: {  	vm15 =	veq.s32 v62, v0  }
0xde: {  	v4 =	vnsel vm15, $0x0, v4;
	v61, _, _ =	vpop (xrf0);
	s5 =	spop (v2sf)  }
0xdf: {  	(xrf0) =	vadd.scan.msk.s32 $0xffff, v4;
	v63, _, _ =	vpop (xrf0);
	(v2sf) =	vpush v61, $0xF;
	s6 =	spop (v2sf)  }
0xe0: {  	v4 =	vnsel vm15, $0x0, v5;
	(v2sf) =	vpush v63, $0xF;
	s6 =	sshll.u32 s6, $0x7  }
0xe1: {  	(xrf0) =	vadd.scan.msk.s32 $0xffff, v4;
	s5 =	sshll.u32 s5, $0x7;
	s6 =	sand.u32 $0x1FFFFF80, s6  }
0xe2: {  	s5 =	sand.u32 $0x1FFFFF80, s5;
	s6 =	sadd.s32 s2, s6  }
0xe3: {  	[tilespmem:s21], [sflag:$0x2] =	stream.strided.gather [hbm4b:s6+s12], $0x1000, s11, s12, $0x38;
	[tilespmem:$0x10600] =	vst v63  }
0xe4: {  	s5 =	sadd.s32 s3, s5  }
0xe5: {  	v4, _, _ =	vpop (xrf0);
	[tilespmem:s22], [sflag:$0x2] =	stream.strided.gather [hbm4b:s5+s12], $0x1000, s11, s12, $0x38;
	[tilespmem:$0x10600] =	vst v63  }
0xe6: {  	s5 =	spop (v2sf);
	(v2sf) =	vpush v4, $0xF  }
0xe7: {  	v4, _, _ =	vpop (xrf0);
	s20 =	spop (v2sf)  }
0xe8: {  	(v2sf) =	vpush v4, $0xF;
	s6 =	sshll.u32 s20, $0x7  }
0xe9: {  	s5 =	sshll.u32 s5, $0x7;
	s6 =	sand.u32 $0x1FFFFF80, s6  }
0xea: {  	s5 =	sand.u32 $0x1FFFFF80, s5;
	s6 =	sadd.s32 s2, s6  }
0xeb: {  	[tilespmem:s23], [sflag:$0x2] =	stream.strided.gather [hbm4b:s6+s12], $0x1000, s11, s12, $0x38;
	[tilespmem:$0x10600] =	vst v63  }
0xec: {  	s5 =	sadd.s32 s3, s5  }
0xed: {  	[tilespmem:s24], [sflag:$0x2] =	stream.strided.gather [hbm4b:s5+s12], $0x1000, s11, s12, $0x38;
	[tilespmem:$0x10600] =	vst v63  }
0xee: {  	s6 =	spop (v2sf)  }
0xef: {  	s20 =	spop (v2sf)  }
0xf0: {  	s20 =	sshll.u32 s20, $0x7  }
0xf1: {  	s5 =	sand.u32 $0x1FFFFF80, s20  }
0xf2: {  	s6 =	sshll.u32 s6, $0x7;
	s5 =	sadd.s32 s2, s5  }
0xf3: {  	[tilespmem:s25], [sflag:$0x2] =	stream.strided.gather [hbm4b:s5+s12], $0x1000, s11, s12, $0x38;
	[tilespmem:$0x10600] =	vst v63  }
0xf4: {  	s5 =	sand.u32 $0x1FFFFF80, s6  }
0xf5: {  	s5 =	sadd.s32 s3, s5;
	s6 =	spop (v2sf)  }
0xf6: {  	[tilespmem:s26], [sflag:$0x2] =	stream.strided.gather [hbm4b:s5+s12], $0x1000, s11, s12, $0x38;
	[tilespmem:$0x10600] =	vst v63  }
0xf7: {  	s20 =	spop (v2sf)  }
0xf8: {  	s5 =	sshll.u32 s20, $0x7  }
0xf9: {  	s5 =	sand.u32 $0x1FFFFF80, s5  }
.Ltmp8:
0xfa: {  	s20 =	sshll.u32 s6, $0x7;
	s5 =	sadd.s32 s2, s5;
	(pc) =	sbr.rel .LBB2_6-.Ltmp8, $4  }
0xfb: {  	[tilespmem:s28], [sflag:$0x2] =	stream.strided.gather [hbm4b:s5+s12], $0x1000, s11, s12, $0x38;
	[tilespmem:$0x10600] =	vst v63  }
0xfc: {  	s5 =	sand.u32 $0x1FFFFF80, s20  }
0xfd: {  	s5 =	sadd.s32 s3, s5  }
0xfe: {  	[tilespmem:s29], [sflag:$0x2] =	stream.strided.gather [hbm4b:s5+s12], $0x1000, s11, s12, $0x38;
	[tilespmem:$0x10600] =	vst v63  }
.LBB2_9:
0xff: {  	_ =	sfence.sel $0x180000  }
0x100: {  	[bflag:$0x0] =	sbarrier.arrive $0xFFFF  }
0x101: {  	_ =	strace $0x90000047  }
0x102: {  	s0 =	stileid.u32;
	[bflag:$0x2] =	sbarrier.arrive $0xFFFF  }
0x103: {  	p0 =	sne.s32 s0, $0x0;
	s0 =	rddreg [dreg:$0x4]  }
0x104: {  	s0 =	sadd.s32 @!p0 $0x100000, s0  }
0x105: {  	[sflag:s0] =	ssyncadd.tile.s32 @!p0 $0x1;
	_ =	shalt  }
.Lfunc_end2:
_tile_overlayer_lowered:
.L_overlay_start_2:
0x106: {  	(tag) =	ssettag $0x2  }
0x107: {  	s0 =	rddreg [dreg:$0x0];
	s2 =	stileid.u32  }
0x108: {  	s1 =	rddreg [dreg:$0x1];
	p0 =	sne.s32 s2, $0x0  }
0x109: {  	s3 =	rddreg [dreg:$0x2];
	[bflag:$0x3] =	sbarrier.arrive $0xFFFF;
	s2 =	simm.s32 @!p0 $0x1C03  }
0x10a: {  	[timem:s3], [sflag:s2] =	dma.local @!p0 [hbm:s0], s1  }
0x10b: {  	s0 =	simm.s32 @!p0 $0x3  }
0x10c: {  	_ =	swait.ge @!p0 [sflag:s0], s1  }
0x10d: {  	s1 =	ssub.s32 @!p0 $0x0, s1;
	[sflag:s0] =	ssyncset.done @!p0 $0x0  }
0x10e: {  	[sflag:s0] =	ssyncadd.s32 @!p0 s1  }
0x10f: {  	[bflag:$0x3] =	sbarrier.arrive $0xFFFF  }
0x110: {  	_ =	shalt  }

</sc_bundles>
